<compile_context>
chip_gen: v7x
topology: tpu7x:2x2x1
jax: 0.10.2.dev20260603
libtpu: 0.0.44.dev20260713+nightly
codegen_flags: <defaults>
</compile_context>

<pallas_src>
import functools

import numpy as np
import jax
import jax.numpy as jnp
from jax import lax
from jax.experimental import pallas as pl
from jax.experimental.pallas import tpu as pltpu
from jax.experimental.pallas import tpu_sc as plsc

N = 10000
E = 320000
DI = 128
DH = 256
HALF = DH // 2

NC = 2
NS = 16
EPT = E // NS
CH = 160
NCHUNK = EPT // CH
NPAIR = NCHUNK // 2
CHD = 2000
NCHUNKD = EPT // CHD
ST = 624
TAIL = N - NS * ST

_MESH = plsc.VectorSubcoreMesh(
    core_axis_name="c", subcore_axis_name="s", num_cores=NC, num_subcores=NS
)


@functools.partial(
    pl.kernel,
    out_type=jax.ShapeDtypeStruct((2 * N, 16), jnp.float32),
    mesh=_MESH,
    scratch_types=[
        pltpu.VMEM((CHD,), jnp.int32),
        pltpu.VMEM((CHD, 16), jnp.float32),
        pltpu.VMEM_SHARED((N, 16), jnp.float32),
    ],
    compiler_params=pltpu.CompilerParams(use_tc_tiling_on_sc=False),
)
def _deg_kernel(edges, zdeg, out, idxv, onesv, degsh):
    c = lax.axis_index("c")
    s = lax.axis_index("s")

    @pl.loop(0, CHD)
    def _(i):
        onesv[i] = jnp.full((16,), 1.0, jnp.float32)

    pltpu.sync_copy(zdeg.at[pl.ds(s * ST, ST)], degsh.at[pl.ds(s * ST, ST)])

    @pl.when(s == NS - 1)
    def _():
        pltpu.sync_copy(
            zdeg.at[pl.ds(NS * ST, TAIL)], degsh.at[pl.ds(NS * ST, TAIL)]
        )

    plsc.subcore_barrier()

    base = c * E + s * EPT

    @pl.loop(0, NCHUNKD)
    def _(i):
        pltpu.sync_copy(edges.at[pl.ds(base + i * CHD, CHD)], idxv)
        pltpu.sync_copy(onesv, degsh.at[idxv], add=True)

    plsc.subcore_barrier()
    pltpu.sync_copy(
        degsh.at[pl.ds(s * ST, ST)], out.at[pl.ds(c * N + s * ST, ST)]
    )

    @pl.when(s == NS - 1)
    def _():
        pltpu.sync_copy(
            degsh.at[pl.ds(NS * ST, TAIL)], out.at[pl.ds(c * N + NS * ST, TAIL)]
        )


@functools.partial(
    pl.kernel,
    out_type=jax.ShapeDtypeStruct((2 * N, HALF), jnp.float32),
    mesh=_MESH,
    scratch_types=[
        pltpu.VMEM((2 * CH,), jnp.int32),
        pltpu.VMEM((2 * CH,), jnp.int32),
        pltpu.VMEM((CH, HALF), jnp.float32),
        pltpu.VMEM((CH, HALF), jnp.float32),
        pltpu.SemaphoreType.DMA,
        pltpu.SemaphoreType.DMA,
        pltpu.VMEM_SHARED((N, HALF), jnp.float32),
    ],
    compiler_params=pltpu.CompilerParams(use_tc_tiling_on_sc=False),
)
def _agg_kernel(h, edges, zagg, out, ibuf0, ibuf1, rows0,
                rows1, gs0, gs1, aggsh):
    c = lax.axis_index("c")
    s = lax.axis_index("s")

    pltpu.sync_copy(zagg.at[pl.ds(s * ST, ST)], aggsh.at[pl.ds(s * ST, ST)])

    @pl.when(s == NS - 1)
    def _():
        pltpu.sync_copy(
            zagg.at[pl.ds(NS * ST, TAIL)], aggsh.at[pl.ds(NS * ST, TAIL)]
        )

    plsc.subcore_barrier()

    base = (c * NS + s) * EPT * 2

    def load_idx(i, ibuf):
        pltpu.sync_copy(edges.at[pl.ds(base + i * 2 * CH, 2 * CH)], ibuf)

    def start_gather(ibuf, rows, sem):
        pltpu.make_async_copy(h.at[ibuf.at[pl.ds(0, CH)]], rows, sem).start()

    def wait_gather(ibuf, rows, sem):
        pltpu.make_async_copy(h.at[ibuf.at[pl.ds(0, CH)]], rows, sem).wait()

    def scatter_add(rows, ibuf):
        pltpu.sync_copy(rows, aggsh.at[ibuf.at[pl.ds(CH, CH)]], add=True)

    load_idx(0, ibuf0)
    start_gather(ibuf0, rows0, gs0)
    load_idx(1, ibuf1)

    @pl.loop(0, NPAIR)
    def _(t):
        start_gather(ibuf1, rows1, gs1)
        wait_gather(ibuf0, rows0, gs0)
        scatter_add(rows0, ibuf0)
        load_idx(2 * t + 2, ibuf0)
        start_gather(ibuf0, rows0, gs0)
        wait_gather(ibuf1, rows1, gs1)
        scatter_add(rows1, ibuf1)

        @pl.when(2 * t + 3 < NCHUNK)
        def _():
            load_idx(2 * t + 3, ibuf1)

    wait_gather(ibuf0, rows0, gs0)
    scatter_add(rows0, ibuf0)

    plsc.subcore_barrier()
    pltpu.sync_copy(
        aggsh.at[pl.ds(s * ST, ST)], out.at[pl.ds(c * N + s * ST, ST)]
    )

    @pl.when(s == NS - 1)
    def _():
        pltpu.sync_copy(
            aggsh.at[pl.ds(NS * ST, TAIL)], out.at[pl.ds(c * N + NS * ST, TAIL)]
        )


BN = 1000


def _norm(deg_block):
    d = deg_block[:, 0:1]
    return jnp.where(d > 0.0, lax.rsqrt(jnp.maximum(d, 1.0)), 0.0)


def _mm1_body(x_ref, w_ref, dsrc_ref, o_ref):
    ns = _norm(dsrc_ref)
    y = jnp.dot(
        x_ref[...], w_ref[...],
        preferred_element_type=jnp.float32, precision=lax.Precision.HIGHEST,
    )
    o_ref[0] = y * ns


def _mm1(x, w1, dsrc):
    return pl.pallas_call(
        _mm1_body,
        grid=(2, N // BN),
        in_specs=[
            pl.BlockSpec((BN, DI), lambda c, i: (i, 0)),
            pl.BlockSpec((DI, HALF), lambda c, i: (0, c)),
            pl.BlockSpec((BN, 16), lambda c, i: (i, 0)),
        ],
        out_specs=pl.BlockSpec((1, BN, HALF), lambda c, i: (c, i, 0)),
        out_shape=jax.ShapeDtypeStruct((2, N, HALF), jnp.float32),
    )(x, w1, dsrc)


def _mm2_body(agg_ref, dsrc_ref, ddst_ref, b1_ref, w2_ref, o_ref):
    nd = _norm(ddst_ref)
    ns = _norm(dsrc_ref)
    a = jnp.concatenate([agg_ref[0], agg_ref[1]], axis=1)
    z = jnp.maximum(a * nd + b1_ref[...], 0.0)
    y = jnp.dot(
        z, w2_ref[...],
        preferred_element_type=jnp.float32, precision=lax.Precision.HIGHEST,
    )
    o_ref[0] = y * ns


def _mm2(agg1, dsrc, ddst, b1, w2):
    return pl.pallas_call(
        _mm2_body,
        grid=(2, N // BN),
        in_specs=[
            pl.BlockSpec((2, BN, HALF), lambda c, i: (0, i, 0)),
            pl.BlockSpec((BN, 16), lambda c, i: (i, 0)),
            pl.BlockSpec((BN, 16), lambda c, i: (i, 0)),
            pl.BlockSpec((1, DH), lambda c, i: (0, 0)),
            pl.BlockSpec((DH, HALF), lambda c, i: (0, c)),
        ],
        out_specs=pl.BlockSpec((1, BN, HALF), lambda c, i: (c, i, 0)),
        out_shape=jax.ShapeDtypeStruct((2, N, HALF), jnp.float32),
    )(agg1, dsrc, ddst, b1, w2)


def _mm3_body(agg_ref, ddst_ref, b2_ref, o_ref):
    nd = _norm(ddst_ref)
    a = jnp.concatenate([agg_ref[0], agg_ref[1]], axis=1)
    o_ref[...] = a * nd + b2_ref[...]


def _mm3(agg2, ddst, b2):
    return pl.pallas_call(
        _mm3_body,
        grid=(N // BN,),
        in_specs=[
            pl.BlockSpec((2, BN, HALF), lambda i: (0, i, 0)),
            pl.BlockSpec((BN, 16), lambda i: (i, 0)),
            pl.BlockSpec((1, DH), lambda i: (0, 0)),
        ],
        out_specs=pl.BlockSpec((BN, DH), lambda i: (i, 0)),
        out_shape=jax.ShapeDtypeStruct((N, DH), jnp.float32),
    )(agg2, ddst, b2)


_ZDEG = np.zeros((N, 16), np.float32)
_ZAGG = np.zeros((N, HALF), np.float32)


def kernel(features, edge_index, W1, b1, W2, b2):
    src = edge_index[0]
    dst = edge_index[1]
    edges = edge_index.reshape(-1)

    srcw = src.reshape(NS, NCHUNK, 1, CH)
    dstw = dst.reshape(NS, NCHUNK, 1, CH)
    core0 = jnp.concatenate([srcw, dstw], axis=2)
    core1 = jnp.concatenate([srcw + N, dstw], axis=2)
    edges_ag = jnp.stack([core0, core1]).reshape(-1)

    zdeg = jnp.asarray(_ZDEG)
    zagg = jnp.asarray(_ZAGG)

    degs = _deg_kernel(edges, zdeg)
    dsrc = degs[:N]
    ddst = degs[N:]

    h1 = _mm1(features, W1, dsrc)
    agg1 = _agg_kernel(
        h1.reshape(2 * N, HALF), edges_ag, zagg).reshape(2, N, HALF)

    h2 = _mm2(agg1, dsrc, ddst, b1.reshape(1, DH), W2)
    agg2 = _agg_kernel(
        h2.reshape(2 * N, HALF), edges_ag, zagg).reshape(2, N, HALF)

    return _mm3(agg2, ddst, b2.reshape(1, DH))

# --- scband reference (transcript-rebuilt; emitter-appended) ---
"""Pipeline reference for scband-gcnmodel-575525617768 (READ-ONLY COPY).

The authoritative reference and input builder live on the scoring server;
editing this copy changes nothing except your own understanding.
"""

import jax, jax.numpy as jnp
import numpy as np

N_NODES = 10000
N_EDGES = 320000
D_IN = 128
D_H = 256


def setup_inputs(seed: int = 0) -> dict:
    key = jax.random.key(seed)
    k1, k2, k3, k4 = jax.random.split(key, 4)
    features = jax.random.normal(k1, (N_NODES, D_IN), dtype=jnp.float32)
    edge_index = jax.random.randint(k2, (2, N_EDGES), 0, N_NODES, dtype=jnp.int32)
    # GraphConv layer params (DGL GraphConv: in->h, h->h)
    W1 = jax.random.normal(k3, (D_IN, D_H), dtype=jnp.float32) * (1.0 / np.sqrt(D_IN))
    b1 = jnp.zeros((D_H,), dtype=jnp.float32)
    W2 = jax.random.normal(k4, (D_H, D_H), dtype=jnp.float32) * (1.0 / np.sqrt(D_H))
    b2 = jnp.zeros((D_H,), dtype=jnp.float32)
    return {"features": features, "edge_index": edge_index, "W1": W1, "b1": b1, "W2": W2, "b2": b2}


def _gcn_conv(x, src, dst, W, b, n_nodes):
    # DGL GraphConv with norm='both': D_dst^{-1/2} A D_src^{-1/2} X W + b
    ones = jnp.ones((src.shape[0],), dtype=x.dtype)
    deg_out = jax.ops.segment_sum(ones, src, num_segments=n_nodes)
    deg_in = jax.ops.segment_sum(ones, dst, num_segments=n_nodes)
    norm_src = jnp.where(deg_out > 0, jax.lax.rsqrt(jnp.maximum(deg_out, 1.0)), 0.0)
    norm_dst = jnp.where(deg_in > 0, jax.lax.rsqrt(jnp.maximum(deg_in, 1.0)), 0.0)
    h = x @ W
    h = h * norm_src[:, None]
    msg = jnp.take(h, src, axis=0)
    agg = jax.ops.segment_sum(msg, dst, num_segments=n_nodes)
    agg = agg * norm_dst[:, None]
    return agg + b


def reference(features, edge_index, W1, b1, W2, b2):
    src = edge_index[0]
    dst = edge_index[1]
    h = jax.nn.relu(_gcn_conv(features, src, dst, W1, b1, N_NODES))
    h = _gcn_conv(h, src, dst, W2, b2, N_NODES)
    return h

if __name__ == "__main__":
    import jax
    _d = setup_inputs()
    print(jax.jit(kernel)(*tuple(_d.values())))

</pallas_src>

<mosaic_0001>
#map = affine_map<(d0, d1) -> (0)>
#map1 = affine_map<(d0, d1) -> (0, 0)>
module attributes {stable_mosaic.version = 14 : i64} {
  func.func @_deg_kernel(%arg0: i32, %arg1: i32, %arg2: memref<640000xi32, #tpu.memory_space<hbm>>, %arg3: memref<10000x16xf32, #tpu.memory_space<hbm>>, %arg4: memref<20000x16xf32, #tpu.memory_space<hbm>>, %arg5: memref<2000xi32, #tpu.memory_space<vmem>>, %arg6: memref<2000x16xf32, #tpu.memory_space<vmem>>, %arg7: memref<10000x16xf32, #tpu.memory_space<vmem_shared>>) attributes {dimension_semantics = [#tpu.dimension_semantics<core_parallel>, #tpu.dimension_semantics<subcore_parallel>], iteration_bounds = array<i64: 2, 16>, scalar_prefetch = 0 : i64, scratch_operands = 3 : i64, tpu.core_type = #tpu.core_type<sc_vector_subcore>, window_params = [{transform_indices = #map}, {transform_indices = #map1}, {transform_indices = #map1}]} {
    %scan3A = arith.constant 0 : i32
    %scan3A_0 = arith.constant 2000 : i32
    %scan3A_1 = arith.addi %scan3A, %scan3A_0 : i32
    %scan3A_2 = arith.constant 1 : i32
    scf.for %scan3A_31 = %scan3A to %scan3A_1 step %scan3A_2  : i32 {
      %mul3A_32 = arith.constant 1 : i32
      %mul3A_33 = arith.muli %scan3A_31, %mul3A_32 : i32
      %add3A_34 = arith.constant 0 : i32
      %add3A_35 = arith.addi %add3A_34, %mul3A_33 : i32
      %broadcast_in_dim3A = arith.constant 1.000000e+00 : f32
      %broadcast_in_dim3A_36 = vector.broadcast %broadcast_in_dim3A : f32 to vector<16xf32>
      %swap3A = arith.index_cast %add3A_35 : i32 to index
      %swap3A_37 = arith.constant 0 : index
      %swap3A_38 = tpu.vector_load %arg6[%swap3A, %swap3A_37] {strides = array<i32>} : memref<2000x16xf32, #tpu.memory_space<vmem>>, vector<1x16xf32>,
      %swap3A_39 = vector.shape_cast %swap3A_38 : vector<1x16xf32> to vector<16xf32>
      %swap3A_40 = vector.shape_cast %broadcast_in_dim3A_36 : vector<16xf32> to vector<1x16xf32>
      tpu.vector_store %arg6[%swap3A, %swap3A_37], %swap3A_40 {strides = array<i32>} : memref<2000x16xf32, #tpu.memory_space<vmem>>, vector<1x16xf32>,
    }
    %scan3A_3 = arith.constant 2000 : i32
    %mul3A = arith.constant 624 : i32
    %mul3A_4 = arith.muli %arg1, %mul3A : i32
    %mul3A_5 = arith.constant 624 : i32
    %mul3A_6 = arith.muli %arg1, %mul3A_5 : i32
    "tpu.region"() ({
      %run_scoped3A = tpu.sem_alloc : memref<!tpu.dma_semaphore, #tpu.memory_space<semaphore_mem>>
      %dma_start3A = arith.constant 0 : i32
      %dma_start3A_31 = tpu.memref_slice %arg7[%mul3A_6, %dma_start3A] : memref<10000x16xf32, #tpu.memory_space<vmem_shared>> -> memref<624x16xf32, #tpu.memory_space<vmem_shared>>
      %dma_start3A_32 = arith.constant 0 : i32
      %dma_start3A_33 = tpu.memref_slice %arg3[%mul3A_4, %dma_start3A_32] : memref<10000x16xf32, #tpu.memory_space<hbm>> -> memref<624x16xf32, #tpu.memory_space<hbm>>
      tpu.enqueue_dma source(%dma_start3A_33 : memref<624x16xf32, #tpu.memory_space<hbm>>) target(%dma_start3A_31 : memref<624x16xf32, #tpu.memory_space<vmem_shared>>) target_semaphore(%run_scoped3A : memref<!tpu.dma_semaphore, #tpu.memory_space<semaphore_mem>>)
      %dma_wait3A = arith.constant 0 : i32
      %dma_wait3A_34 = tpu.memref_slice %arg7[%mul3A_6, %dma_wait3A] : memref<10000x16xf32, #tpu.memory_space<vmem_shared>> -> memref<624x16xf32, #tpu.memory_space<vmem_shared>>
      %dma_wait3A_35 = arith.constant 0 : i32
      %dma_wait3A_36 = tpu.memref_slice %arg3[%mul3A_4, %dma_wait3A_35] : memref<10000x16xf32, #tpu.memory_space<hbm>> -> memref<624x16xf32, #tpu.memory_space<hbm>>
      tpu.wait_dma2 semaphore(%run_scoped3A : memref<!tpu.dma_semaphore, #tpu.memory_space<semaphore_mem>>) src(%dma_wait3A_36 : memref<624x16xf32, #tpu.memory_space<hbm>>) dst(%dma_wait3A_34 : memref<624x16xf32, #tpu.memory_space<vmem_shared>>)
      tpu.yield
    }) : () -> ()
    %eq3A = arith.constant 15 : i32
    %eq3A_7 = arith.cmpi eq, %arg1, %eq3A : i32
    %convert_element_type3A = arith.extui %eq3A_7 : i1 to i32
    %cond3A = arith.constant 0 : i32
    %cond3A_8 = arith.cmpi ne, %convert_element_type3A, %cond3A : i32
    scf.if %cond3A_8 {
      "tpu.region"() ({
        %run_scoped3A = tpu.sem_alloc : memref<!tpu.dma_semaphore, #tpu.memory_space<semaphore_mem>>
        %dma_start3A = arith.constant 9984 : i32
        %dma_start3A_31 = arith.constant 0 : i32
        %dma_start3A_32 = tpu.memref_slice %arg7[%dma_start3A, %dma_start3A_31] : memref<10000x16xf32, #tpu.memory_space<vmem_shared>> -> memref<16x16xf32, #tpu.memory_space<vmem_shared>>
        %dma_start3A_33 = arith.constant 9984 : i32
        %dma_start3A_34 = arith.constant 0 : i32
        %dma_start3A_35 = tpu.memref_slice %arg3[%dma_start3A_33, %dma_start3A_34] : memref<10000x16xf32, #tpu.memory_space<hbm>> -> memref<16x16xf32, #tpu.memory_space<hbm>>
        tpu.enqueue_dma source(%dma_start3A_35 : memref<16x16xf32, #tpu.memory_space<hbm>>) target(%dma_start3A_32 : memref<16x16xf32, #tpu.memory_space<vmem_shared>>) target_semaphore(%run_scoped3A : memref<!tpu.dma_semaphore, #tpu.memory_space<semaphore_mem>>)
        %dma_wait3A = arith.constant 9984 : i32
        %dma_wait3A_36 = arith.constant 0 : i32
        %dma_wait3A_37 = tpu.memref_slice %arg7[%dma_wait3A, %dma_wait3A_36] : memref<10000x16xf32, #tpu.memory_space<vmem_shared>> -> memref<16x16xf32, #tpu.memory_space<vmem_shared>>
        %dma_wait3A_38 = arith.constant 9984 : i32
        %dma_wait3A_39 = arith.constant 0 : i32
        %dma_wait3A_40 = tpu.memref_slice %arg3[%dma_wait3A_38, %dma_wait3A_39] : memref<10000x16xf32, #tpu.memory_space<hbm>> -> memref<16x16xf32, #tpu.memory_space<hbm>>
        tpu.wait_dma2 semaphore(%run_scoped3A : memref<!tpu.dma_semaphore, #tpu.memory_space<semaphore_mem>>) src(%dma_wait3A_40 : memref<16x16xf32, #tpu.memory_space<hbm>>) dst(%dma_wait3A_37 : memref<16x16xf32, #tpu.memory_space<vmem_shared>>)
        tpu.yield
      }) : () -> ()
    } else {
    }
    %barrier3A = arith.constant 0 : index
    tpu.barrier barrier_id(%barrier3A)
    %mul3A_9 = arith.constant 320000 : i32
    %mul3A_10 = arith.muli %arg0, %mul3A_9 : i32
    %mul3A_11 = arith.constant 20000 : i32
    %mul3A_12 = arith.muli %arg1, %mul3A_11 : i32
    %add3A = arith.addi %mul3A_10, %mul3A_12 : i32
    %scan3A_13 = arith.constant 0 : i32
    %scan3A_14 = arith.constant 10 : i32
    %scan3A_15 = arith.addi %scan3A_13, %scan3A_14 : i32
    %scan3A_16 = arith.constant 1 : i32
    scf.for %scan3A_31 = %scan3A_13 to %scan3A_15 step %scan3A_16  : i32 {
      %mul3A_32 = arith.constant 1 : i32
      %mul3A_33 = arith.muli %scan3A_31, %mul3A_32 : i32
      %add3A_34 = arith.constant 0 : i32
      %add3A_35 = arith.addi %add3A_34, %mul3A_33 : i32
      %mul3A_36 = arith.constant 2000 : i32
      %mul3A_37 = arith.muli %add3A_35, %mul3A_36 : i32
      %add3A_38 = arith.addi %add3A, %mul3A_37 : i32
      "tpu.region"() ({
        %run_scoped3A = tpu.sem_alloc : memref<!tpu.dma_semaphore, #tpu.memory_space<semaphore_mem>>
        %dma_start3A = tpu.memref_slice %arg2[%add3A_38] : memref<640000xi32, #tpu.memory_space<hbm>> -> memref<2000xi32, #tpu.memory_space<hbm>>
        %dma_start3A_39 = tpu.memref_slice %arg2[%add3A_38] : memref<640000xi32, #tpu.memory_space<hbm>> -> memref<2000xi32, #tpu.memory_space<hbm>>
        tpu.enqueue_dma source(%dma_start3A_39 : memref<2000xi32, #tpu.memory_space<hbm>>) target(%arg5 : memref<2000xi32, #tpu.memory_space<vmem>>) target_semaphore(%run_scoped3A : memref<!tpu.dma_semaphore, #tpu.memory_space<semaphore_mem>>)
        %dma_wait3A = tpu.memref_slice %arg2[%add3A_38] : memref<640000xi32, #tpu.memory_space<hbm>> -> memref<2000xi32, #tpu.memory_space<hbm>>
        %dma_wait3A_40 = tpu.memref_slice %arg2[%add3A_38] : memref<640000xi32, #tpu.memory_space<hbm>> -> memref<2000xi32, #tpu.memory_space<hbm>>
        tpu.wait_dma2 semaphore(%run_scoped3A : memref<!tpu.dma_semaphore, #tpu.memory_space<semaphore_mem>>) src(%dma_wait3A_40 : memref<2000xi32, #tpu.memory_space<hbm>>) dst(%arg5 : memref<2000xi32, #tpu.memory_space<vmem>>)
        tpu.yield
      }) : () -> ()
      "tpu.region"() ({
        %run_scoped3A = tpu.sem_alloc : memref<!tpu.dma_semaphore, #tpu.memory_space<semaphore_mem>>
        %dma_start3A = arith.constant 0 : i32
        %dma_start3A_39 = arith.constant 0 : i32
        %dma_start3A_40 = tpu.memref_slice %arg7[%dma_start3A, %dma_start3A_39] : memref<10000x16xf32, #tpu.memory_space<vmem_shared>> -> memref<10000x16xf32, #tpu.memory_space<vmem_shared>>
        tpu.enqueue_indirect_dma source(%arg6 : memref<2000x16xf32, #tpu.memory_space<vmem>>) target(%dma_start3A_40 : memref<10000x16xf32, #tpu.memory_space<vmem_shared>>) offsets(%arg5 : memref<2000xi32, #tpu.memory_space<vmem>>) semaphore(%run_scoped3A : memref<!tpu.dma_semaphore, #tpu.memory_space<semaphore_mem>>) {add = true}
        %dma_wait3A = arith.constant 0 : i32
        %dma_wait3A_41 = arith.constant 0 : i32
        %dma_wait3A_42 = tpu.memref_slice %arg7[%dma_wait3A, %dma_wait3A_41] : memref<10000x16xf32, #tpu.memory_space<vmem_shared>> -> memref<10000x16xf32, #tpu.memory_space<vmem_shared>>
        tpu.wait_indirect_dma semaphore(%run_scoped3A : memref<!tpu.dma_semaphore, #tpu.memory_space<semaphore_mem>>) src(%arg6 : memref<2000x16xf32, #tpu.memory_space<vmem>>) dst(%dma_wait3A_42 : memref<10000x16xf32, #tpu.memory_space<vmem_shared>>)
        tpu.yield
      }) : () -> ()
    }
    %scan3A_17 = arith.constant 10 : i32
    %barrier3A_18 = arith.constant 0 : index
    tpu.barrier barrier_id(%barrier3A_18)
    %mul3A_19 = arith.constant 624 : i32
    %mul3A_20 = arith.muli %arg1, %mul3A_19 : i32
    %mul3A_21 = arith.constant 10000 : i32
    %mul3A_22 = arith.muli %arg0, %mul3A_21 : i32
    %mul3A_23 = arith.constant 624 : i32
    %mul3A_24 = arith.muli %arg1, %mul3A_23 : i32
    %add3A_25 = arith.addi %mul3A_22, %mul3A_24 : i32
    "tpu.region"() ({
      %run_scoped3A = tpu.sem_alloc : memref<!tpu.dma_semaphore, #tpu.memory_space<semaphore_mem>>
      %dma_start3A = arith.constant 0 : i32
      %dma_start3A_31 = tpu.memref_slice %arg4[%add3A_25, %dma_start3A] : memref<20000x16xf32, #tpu.memory_space<hbm>> -> memref<624x16xf32, #tpu.memory_space<hbm>>
      %dma_start3A_32 = arith.constant 0 : i32
      %dma_start3A_33 = tpu.memref_slice %arg7[%mul3A_20, %dma_start3A_32] : memref<10000x16xf32, #tpu.memory_space<vmem_shared>> -> memref<624x16xf32, #tpu.memory_space<vmem_shared>>
      tpu.enqueue_dma source(%dma_start3A_33 : memref<624x16xf32, #tpu.memory_space<vmem_shared>>) target(%dma_start3A_31 : memref<624x16xf32, #tpu.memory_space<hbm>>) target_semaphore(%run_scoped3A : memref<!tpu.dma_semaphore, #tpu.memory_space<semaphore_mem>>)
      %dma_wait3A = arith.constant 0 : i32
      %dma_wait3A_34 = tpu.memref_slice %arg4[%add3A_25, %dma_wait3A] : memref<20000x16xf32, #tpu.memory_space<hbm>> -> memref<624x16xf32, #tpu.memory_space<hbm>>
      %dma_wait3A_35 = arith.constant 0 : i32
      %dma_wait3A_36 = tpu.memref_slice %arg7[%mul3A_20, %dma_wait3A_35] : memref<10000x16xf32, #tpu.memory_space<vmem_shared>> -> memref<624x16xf32, #tpu.memory_space<vmem_shared>>
      tpu.wait_dma2 semaphore(%run_scoped3A : memref<!tpu.dma_semaphore, #tpu.memory_space<semaphore_mem>>) src(%dma_wait3A_36 : memref<624x16xf32, #tpu.memory_space<vmem_shared>>) dst(%dma_wait3A_34 : memref<624x16xf32, #tpu.memory_space<hbm>>)
      tpu.yield
    }) : () -> ()
    %eq3A_26 = arith.constant 15 : i32
    %eq3A_27 = arith.cmpi eq, %arg1, %eq3A_26 : i32
    %convert_element_type3A_28 = arith.extui %eq3A_27 : i1 to i32
    %cond3A_29 = arith.constant 0 : i32
    %cond3A_30 = arith.cmpi ne, %convert_element_type3A_28, %cond3A_29 : i32
    scf.if %cond3A_30 {
      %mul3A_31 = arith.constant 10000 : i32
      %mul3A_32 = arith.muli %arg0, %mul3A_31 : i32
      %add3A_33 = arith.constant 9984 : i32
      %add3A_34 = arith.addi %mul3A_32, %add3A_33 : i32
      "tpu.region"() ({
        %run_scoped3A = tpu.sem_alloc : memref<!tpu.dma_semaphore, #tpu.memory_space<semaphore_mem>>
        %dma_start3A = arith.constant 0 : i32
        %dma_start3A_35 = tpu.memref_slice %arg4[%add3A_34, %dma_start3A] : memref<20000x16xf32, #tpu.memory_space<hbm>> -> memref<16x16xf32, #tpu.memory_space<hbm>>
        %dma_start3A_36 = arith.constant 9984 : i32
        %dma_start3A_37 = arith.constant 0 : i32
        %dma_start3A_38 = tpu.memref_slice %arg7[%dma_start3A_36, %dma_start3A_37] : memref<10000x16xf32, #tpu.memory_space<vmem_shared>> -> memref<16x16xf32, #tpu.memory_space<vmem_shared>>
        tpu.enqueue_dma source(%dma_start3A_38 : memref<16x16xf32, #tpu.memory_space<vmem_shared>>) target(%dma_start3A_35 : memref<16x16xf32, #tpu.memory_space<hbm>>) target_semaphore(%run_scoped3A : memref<!tpu.dma_semaphore, #tpu.memory_space<semaphore_mem>>)
        %dma_wait3A = arith.constant 0 : i32
        %dma_wait3A_39 = tpu.memref_slice %arg4[%add3A_34, %dma_wait3A] : memref<20000x16xf32, #tpu.memory_space<hbm>> -> memref<16x16xf32, #tpu.memory_space<hbm>>
        %dma_wait3A_40 = arith.constant 9984 : i32
        %dma_wait3A_41 = arith.constant 0 : i32
        %dma_wait3A_42 = tpu.memref_slice %arg7[%dma_wait3A_40, %dma_wait3A_41] : memref<10000x16xf32, #tpu.memory_space<vmem_shared>> -> memref<16x16xf32, #tpu.memory_space<vmem_shared>>
        tpu.wait_dma2 semaphore(%run_scoped3A : memref<!tpu.dma_semaphore, #tpu.memory_space<semaphore_mem>>) src(%dma_wait3A_42 : memref<16x16xf32, #tpu.memory_space<vmem_shared>>) dst(%dma_wait3A_39 : memref<16x16xf32, #tpu.memory_space<hbm>>)
        tpu.yield
      }) : () -> ()
    } else {
    }
    return
  }
}

#map = affine_map<(d0, d1) -> (0, 0)>
#map1 = affine_map<(d0, d1) -> (0)>
module attributes {stable_mosaic.version = 14 : i64} {
  func.func @_agg_kernel(%arg0: i32, %arg1: i32, %arg2: memref<20000x128xf32, #tpu.memory_space<hbm>>, %arg3: memref<1280000xi32, #tpu.memory_space<hbm>>, %arg4: memref<10000x128xf32, #tpu.memory_space<hbm>>, %arg5: memref<20000x128xf32, #tpu.memory_space<hbm>>, %arg6: memref<320xi32, #tpu.memory_space<vmem>>, %arg7: memref<320xi32, #tpu.memory_space<vmem>>, %arg8: memref<160x128xf32, #tpu.memory_space<vmem>>, %arg9: memref<160x128xf32, #tpu.memory_space<vmem>>, %arg10: memref<!tpu.dma_semaphore, #tpu.memory_space<semaphore_mem>>, %arg11: memref<!tpu.dma_semaphore, #tpu.memory_space<semaphore_mem>>, %arg12: memref<10000x128xf32, #tpu.memory_space<vmem_shared>>) attributes {dimension_semantics = [#tpu.dimension_semantics<core_parallel>, #tpu.dimension_semantics<subcore_parallel>], iteration_bounds = array<i64: 2, 16>, scalar_prefetch = 0 : i64, scratch_operands = 7 : i64, tpu.core_type = #tpu.core_type<sc_vector_subcore>, window_params = [{transform_indices = #map}, {transform_indices = #map1}, {transform_indices = #map}, {transform_indices = #map}]} {
    %mul3A = arith.constant 624 : i32
    %mul3A_0 = arith.muli %arg1, %mul3A : i32
    %mul3A_1 = arith.constant 624 : i32
    %mul3A_2 = arith.muli %arg1, %mul3A_1 : i32
    "tpu.region"() ({
      %run_scoped3A = tpu.sem_alloc : memref<!tpu.dma_semaphore, #tpu.memory_space<semaphore_mem>>
      %dma_start3A_40 = arith.constant 0 : i32
      %dma_start3A_41 = tpu.memref_slice %arg12[%mul3A_2, %dma_start3A_40] : memref<10000x128xf32, #tpu.memory_space<vmem_shared>> -> memref<624x128xf32, #tpu.memory_space<vmem_shared>>
      %dma_start3A_42 = arith.constant 0 : i32
      %dma_start3A_43 = tpu.memref_slice %arg4[%mul3A_0, %dma_start3A_42] : memref<10000x128xf32, #tpu.memory_space<hbm>> -> memref<624x128xf32, #tpu.memory_space<hbm>>
      tpu.enqueue_dma source(%dma_start3A_43 : memref<624x128xf32, #tpu.memory_space<hbm>>) target(%dma_start3A_41 : memref<624x128xf32, #tpu.memory_space<vmem_shared>>) target_semaphore(%run_scoped3A : memref<!tpu.dma_semaphore, #tpu.memory_space<semaphore_mem>>)
      %dma_wait3A_44 = arith.constant 0 : i32
      %dma_wait3A_45 = tpu.memref_slice %arg12[%mul3A_2, %dma_wait3A_44] : memref<10000x128xf32, #tpu.memory_space<vmem_shared>> -> memref<624x128xf32, #tpu.memory_space<vmem_shared>>
      %dma_wait3A_46 = arith.constant 0 : i32
      %dma_wait3A_47 = tpu.memref_slice %arg4[%mul3A_0, %dma_wait3A_46] : memref<10000x128xf32, #tpu.memory_space<hbm>> -> memref<624x128xf32, #tpu.memory_space<hbm>>
      tpu.wait_dma2 semaphore(%run_scoped3A : memref<!tpu.dma_semaphore, #tpu.memory_space<semaphore_mem>>) src(%dma_wait3A_47 : memref<624x128xf32, #tpu.memory_space<hbm>>) dst(%dma_wait3A_45 : memref<624x128xf32, #tpu.memory_space<vmem_shared>>)
      tpu.yield
    }) : () -> ()
    %eq3A = arith.constant 15 : i32
    %eq3A_3 = arith.cmpi eq, %arg1, %eq3A : i32
    %convert_element_type3A = arith.extui %eq3A_3 : i1 to i32
    %cond3A = arith.constant 0 : i32
    %cond3A_4 = arith.cmpi ne, %convert_element_type3A, %cond3A : i32
    scf.if %cond3A_4 {
      "tpu.region"() ({
        %run_scoped3A = tpu.sem_alloc : memref<!tpu.dma_semaphore, #tpu.memory_space<semaphore_mem>>
        %dma_start3A_40 = arith.constant 9984 : i32
        %dma_start3A_41 = arith.constant 0 : i32
        %dma_start3A_42 = tpu.memref_slice %arg12[%dma_start3A_40, %dma_start3A_41] : memref<10000x128xf32, #tpu.memory_space<vmem_shared>> -> memref<16x128xf32, #tpu.memory_space<vmem_shared>>
        %dma_start3A_43 = arith.constant 9984 : i32
        %dma_start3A_44 = arith.constant 0 : i32
        %dma_start3A_45 = tpu.memref_slice %arg4[%dma_start3A_43, %dma_start3A_44] : memref<10000x128xf32, #tpu.memory_space<hbm>> -> memref<16x128xf32, #tpu.memory_space<hbm>>
        tpu.enqueue_dma source(%dma_start3A_45 : memref<16x128xf32, #tpu.memory_space<hbm>>) target(%dma_start3A_42 : memref<16x128xf32, #tpu.memory_space<vmem_shared>>) target_semaphore(%run_scoped3A : memref<!tpu.dma_semaphore, #tpu.memory_space<semaphore_mem>>)
        %dma_wait3A_46 = arith.constant 9984 : i32
        %dma_wait3A_47 = arith.constant 0 : i32
        %dma_wait3A_48 = tpu.memref_slice %arg12[%dma_wait3A_46, %dma_wait3A_47] : memref<10000x128xf32, #tpu.memory_space<vmem_shared>> -> memref<16x128xf32, #tpu.memory_space<vmem_shared>>
        %dma_wait3A_49 = arith.constant 9984 : i32
        %dma_wait3A_50 = arith.constant 0 : i32
        %dma_wait3A_51 = tpu.memref_slice %arg4[%dma_wait3A_49, %dma_wait3A_50] : memref<10000x128xf32, #tpu.memory_space<hbm>> -> memref<16x128xf32, #tpu.memory_space<hbm>>
        tpu.wait_dma2 semaphore(%run_scoped3A : memref<!tpu.dma_semaphore, #tpu.memory_space<semaphore_mem>>) src(%dma_wait3A_51 : memref<16x128xf32, #tpu.memory_space<hbm>>) dst(%dma_wait3A_48 : memref<16x128xf32, #tpu.memory_space<vmem_shared>>)
        tpu.yield
      }) : () -> ()
    } else {
    }
    %barrier3A = arith.constant 0 : index
    tpu.barrier barrier_id(%barrier3A)
    %mul3A_5 = arith.constant 16 : i32
    %mul3A_6 = arith.muli %arg0, %mul3A_5 : i32
    %add3A = arith.addi %mul3A_6, %arg1 : i32
    %mul3A_7 = arith.constant 20000 : i32
    %mul3A_8 = arith.muli %add3A, %mul3A_7 : i32
    %mul3A_9 = arith.constant 2 : i32
    %mul3A_10 = arith.muli %mul3A_8, %mul3A_9 : i32
    %add3A_11 = arith.constant 0 : i32
    %add3A_12 = arith.addi %mul3A_10, %add3A_11 : i32
    "tpu.region"() ({
      %run_scoped3A = tpu.sem_alloc : memref<!tpu.dma_semaphore, #tpu.memory_space<semaphore_mem>>
      %dma_start3A_40 = tpu.memref_slice %arg3[%add3A_12] : memref<1280000xi32, #tpu.memory_space<hbm>> -> memref<320xi32, #tpu.memory_space<hbm>>
      %dma_start3A_41 = tpu.memref_slice %arg3[%add3A_12] : memref<1280000xi32, #tpu.memory_space<hbm>> -> memref<320xi32, #tpu.memory_space<hbm>>
      tpu.enqueue_dma source(%dma_start3A_41 : memref<320xi32, #tpu.memory_space<hbm>>) target(%arg6 : memref<320xi32, #tpu.memory_space<vmem>>) target_semaphore(%run_scoped3A : memref<!tpu.dma_semaphore, #tpu.memory_space<semaphore_mem>>)
      %dma_wait3A_42 = tpu.memref_slice %arg3[%add3A_12] : memref<1280000xi32, #tpu.memory_space<hbm>> -> memref<320xi32, #tpu.memory_space<hbm>>
      %dma_wait3A_43 = tpu.memref_slice %arg3[%add3A_12] : memref<1280000xi32, #tpu.memory_space<hbm>> -> memref<320xi32, #tpu.memory_space<hbm>>
      tpu.wait_dma2 semaphore(%run_scoped3A : memref<!tpu.dma_semaphore, #tpu.memory_space<semaphore_mem>>) src(%dma_wait3A_43 : memref<320xi32, #tpu.memory_space<hbm>>) dst(%arg6 : memref<320xi32, #tpu.memory_space<vmem>>)
      tpu.yield
    }) : () -> ()
    %dma_start3A = arith.constant 0 : i32
    %dma_start3A_13 = tpu.memref_slice %arg6[%dma_start3A] : memref<320xi32, #tpu.memory_space<vmem>> -> memref<160xi32, #tpu.memory_space<vmem>>
    %dma_start3A_14 = arith.constant 0 : i32
    %dma_start3A_15 = arith.constant 0 : i32
    %dma_start3A_16 = tpu.memref_slice %arg2[%dma_start3A_14, %dma_start3A_15] : memref<20000x128xf32, #tpu.memory_space<hbm>> -> memref<20000x128xf32, #tpu.memory_space<hbm>>
    tpu.enqueue_indirect_dma source(%dma_start3A_16 : memref<20000x128xf32, #tpu.memory_space<hbm>>) target(%arg8 : memref<160x128xf32, #tpu.memory_space<vmem>>) offsets(%dma_start3A_13 : memref<160xi32, #tpu.memory_space<vmem>>) semaphore(%arg10 : memref<!tpu.dma_semaphore, #tpu.memory_space<semaphore_mem>>)
    %add3A_17 = arith.constant 320 : i32
    %add3A_18 = arith.addi %mul3A_10, %add3A_17 : i32
    "tpu.region"() ({
      %run_scoped3A = tpu.sem_alloc : memref<!tpu.dma_semaphore, #tpu.memory_space<semaphore_mem>>
      %dma_start3A_40 = tpu.memref_slice %arg3[%add3A_18] : memref<1280000xi32, #tpu.memory_space<hbm>> -> memref<320xi32, #tpu.memory_space<hbm>>
      %dma_start3A_41 = tpu.memref_slice %arg3[%add3A_18] : memref<1280000xi32, #tpu.memory_space<hbm>> -> memref<320xi32, #tpu.memory_space<hbm>>
      tpu.enqueue_dma source(%dma_start3A_41 : memref<320xi32, #tpu.memory_space<hbm>>) target(%arg7 : memref<320xi32, #tpu.memory_space<vmem>>) target_semaphore(%run_scoped3A : memref<!tpu.dma_semaphore, #tpu.memory_space<semaphore_mem>>)
      %dma_wait3A_42 = tpu.memref_slice %arg3[%add3A_18] : memref<1280000xi32, #tpu.memory_space<hbm>> -> memref<320xi32, #tpu.memory_space<hbm>>
      %dma_wait3A_43 = tpu.memref_slice %arg3[%add3A_18] : memref<1280000xi32, #tpu.memory_space<hbm>> -> memref<320xi32, #tpu.memory_space<hbm>>
      tpu.wait_dma2 semaphore(%run_scoped3A : memref<!tpu.dma_semaphore, #tpu.memory_space<semaphore_mem>>) src(%dma_wait3A_43 : memref<320xi32, #tpu.memory_space<hbm>>) dst(%arg7 : memref<320xi32, #tpu.memory_space<vmem>>)
      tpu.yield
    }) : () -> ()
    %scan3A = arith.constant 0 : i32
    %scan3A_19 = arith.constant 62 : i32
    %scan3A_20 = arith.addi %scan3A, %scan3A_19 : i32
    %scan3A_21 = arith.constant 1 : i32
    scf.for %scan3A_40 = %scan3A to %scan3A_20 step %scan3A_21  : i32 {
      %mul3A_41 = arith.constant 1 : i32
      %mul3A_42 = arith.muli %scan3A_40, %mul3A_41 : i32
      %add3A_43 = arith.constant 0 : i32
      %add3A_44 = arith.addi %add3A_43, %mul3A_42 : i32
      %dma_start3A_45 = arith.constant 0 : i32
      %dma_start3A_46 = tpu.memref_slice %arg7[%dma_start3A_45] : memref<320xi32, #tpu.memory_space<vmem>> -> memref<160xi32, #tpu.memory_space<vmem>>
      %dma_start3A_47 = arith.constant 0 : i32
      %dma_start3A_48 = arith.constant 0 : i32
      %dma_start3A_49 = tpu.memref_slice %arg2[%dma_start3A_47, %dma_start3A_48] : memref<20000x128xf32, #tpu.memory_space<hbm>> -> memref<20000x128xf32, #tpu.memory_space<hbm>>
      tpu.enqueue_indirect_dma source(%dma_start3A_49 : memref<20000x128xf32, #tpu.memory_space<hbm>>) target(%arg9 : memref<160x128xf32, #tpu.memory_space<vmem>>) offsets(%dma_start3A_46 : memref<160xi32, #tpu.memory_space<vmem>>) semaphore(%arg11 : memref<!tpu.dma_semaphore, #tpu.memory_space<semaphore_mem>>)
      %dma_wait3A_50 = arith.constant 0 : i32
      %dma_wait3A_51 = tpu.memref_slice %arg6[%dma_wait3A_50] : memref<320xi32, #tpu.memory_space<vmem>> -> memref<160xi32, #tpu.memory_space<vmem>>
      %dma_wait3A_52 = arith.constant 0 : i32
      %dma_wait3A_53 = arith.constant 0 : i32
      %dma_wait3A_54 = tpu.memref_slice %arg2[%dma_wait3A_52, %dma_wait3A_53] : memref<20000x128xf32, #tpu.memory_space<hbm>> -> memref<20000x128xf32, #tpu.memory_space<hbm>>
      tpu.wait_indirect_dma semaphore(%arg10 : memref<!tpu.dma_semaphore, #tpu.memory_space<semaphore_mem>>) src(%dma_wait3A_54 : memref<20000x128xf32, #tpu.memory_space<hbm>>) dst(%arg8 : memref<160x128xf32, #tpu.memory_space<vmem>>)
      "tpu.region"() ({
        %run_scoped3A = tpu.sem_alloc : memref<!tpu.dma_semaphore, #tpu.memory_space<semaphore_mem>>
        %dma_start3A_82 = arith.constant 160 : i32
        %dma_start3A_83 = tpu.memref_slice %arg6[%dma_start3A_82] : memref<320xi32, #tpu.memory_space<vmem>> -> memref<160xi32, #tpu.memory_space<vmem>>
        %dma_start3A_84 = arith.constant 0 : i32
        %dma_start3A_85 = arith.constant 0 : i32
        %dma_start3A_86 = tpu.memref_slice %arg12[%dma_start3A_84, %dma_start3A_85] : memref<10000x128xf32, #tpu.memory_space<vmem_shared>> -> memref<10000x128xf32, #tpu.memory_space<vmem_shared>>
        tpu.enqueue_indirect_dma source(%arg8 : memref<160x128xf32, #tpu.memory_space<vmem>>) target(%dma_start3A_86 : memref<10000x128xf32, #tpu.memory_space<vmem_shared>>) offsets(%dma_start3A_83 : memref<160xi32, #tpu.memory_space<vmem>>) semaphore(%run_scoped3A : memref<!tpu.dma_semaphore, #tpu.memory_space<semaphore_mem>>) {add = true}
        %dma_wait3A_87 = arith.constant 160 : i32
        %dma_wait3A_88 = tpu.memref_slice %arg6[%dma_wait3A_87] : memref<320xi32, #tpu.memory_space<vmem>> -> memref<160xi32, #tpu.memory_space<vmem>>
        %dma_wait3A_89 = arith.constant 0 : i32
        %dma_wait3A_90 = arith.constant 0 : i32
        %dma_wait3A_91 = tpu.memref_slice %arg12[%dma_wait3A_89, %dma_wait3A_90] : memref<10000x128xf32, #tpu.memory_space<vmem_shared>> -> memref<10000x128xf32, #tpu.memory_space<vmem_shared>>
        tpu.wait_indirect_dma semaphore(%run_scoped3A : memref<!tpu.dma_semaphore, #tpu.memory_space<semaphore_mem>>) src(%arg8 : memref<160x128xf32, #tpu.memory_space<vmem>>) dst(%dma_wait3A_91 : memref<10000x128xf32, #tpu.memory_space<vmem_shared>>)
        tpu.yield
      }) : () -> ()
      %mul3A_55 = arith.constant 2 : i32
      %mul3A_56 = arith.muli %mul3A_55, %add3A_44 : i32
      %add3A_57 = arith.constant 2 : i32
      %add3A_58 = arith.addi %mul3A_56, %add3A_57 : i32
      %mul3A_59 = arith.constant 2 : i32
      %mul3A_60 = arith.muli %add3A_58, %mul3A_59 : i32
      %mul3A_61 = arith.constant 160 : i32
      %mul3A_62 = arith.muli %mul3A_60, %mul3A_61 : i32
      %add3A_63 = arith.addi %mul3A_10, %mul3A_62 : i32
      "tpu.region"() ({
        %run_scoped3A = tpu.sem_alloc : memref<!tpu.dma_semaphore, #tpu.memory_space<semaphore_mem>>
        %dma_start3A_82 = tpu.memref_slice %arg3[%add3A_63] : memref<1280000xi32, #tpu.memory_space<hbm>> -> memref<320xi32, #tpu.memory_space<hbm>>
        %dma_start3A_83 = tpu.memref_slice %arg3[%add3A_63] : memref<1280000xi32, #tpu.memory_space<hbm>> -> memref<320xi32, #tpu.memory_space<hbm>>
        tpu.enqueue_dma source(%dma_start3A_83 : memref<320xi32, #tpu.memory_space<hbm>>) target(%arg6 : memref<320xi32, #tpu.memory_space<vmem>>) target_semaphore(%run_scoped3A : memref<!tpu.dma_semaphore, #tpu.memory_space<semaphore_mem>>)
        %dma_wait3A_84 = tpu.memref_slice %arg3[%add3A_63] : memref<1280000xi32, #tpu.memory_space<hbm>> -> memref<320xi32, #tpu.memory_space<hbm>>
        %dma_wait3A_85 = tpu.memref_slice %arg3[%add3A_63] : memref<1280000xi32, #tpu.memory_space<hbm>> -> memref<320xi32, #tpu.memory_space<hbm>>
        tpu.wait_dma2 semaphore(%run_scoped3A : memref<!tpu.dma_semaphore, #tpu.memory_space<semaphore_mem>>) src(%dma_wait3A_85 : memref<320xi32, #tpu.memory_space<hbm>>) dst(%arg6 : memref<320xi32, #tpu.memory_space<vmem>>)
        tpu.yield
      }) : () -> ()
      %dma_start3A_64 = arith.constant 0 : i32
      %dma_start3A_65 = tpu.memref_slice %arg6[%dma_start3A_64] : memref<320xi32, #tpu.memory_space<vmem>> -> memref<160xi32, #tpu.memory_space<vmem>>
      %dma_start3A_66 = arith.constant 0 : i32
      %dma_start3A_67 = arith.constant 0 : i32
      %dma_start3A_68 = tpu.memref_slice %arg2[%dma_start3A_66, %dma_start3A_67] : memref<20000x128xf32, #tpu.memory_space<hbm>> -> memref<20000x128xf32, #tpu.memory_space<hbm>>
      tpu.enqueue_indirect_dma source(%dma_start3A_68 : memref<20000x128xf32, #tpu.memory_space<hbm>>) target(%arg8 : memref<160x128xf32, #tpu.memory_space<vmem>>) offsets(%dma_start3A_65 : memref<160xi32, #tpu.memory_space<vmem>>) semaphore(%arg10 : memref<!tpu.dma_semaphore, #tpu.memory_space<semaphore_mem>>)
      %dma_wait3A_69 = arith.constant 0 : i32
      %dma_wait3A_70 = tpu.memref_slice %arg7[%dma_wait3A_69] : memref<320xi32, #tpu.memory_space<vmem>> -> memref<160xi32, #tpu.memory_space<vmem>>
      %dma_wait3A_71 = arith.constant 0 : i32
      %dma_wait3A_72 = arith.constant 0 : i32
      %dma_wait3A_73 = tpu.memref_slice %arg2[%dma_wait3A_71, %dma_wait3A_72] : memref<20000x128xf32, #tpu.memory_space<hbm>> -> memref<20000x128xf32, #tpu.memory_space<hbm>>
      tpu.wait_indirect_dma semaphore(%arg11 : memref<!tpu.dma_semaphore, #tpu.memory_space<semaphore_mem>>) src(%dma_wait3A_73 : memref<20000x128xf32, #tpu.memory_space<hbm>>) dst(%arg9 : memref<160x128xf32, #tpu.memory_space<vmem>>)
      "tpu.region"() ({
        %run_scoped3A = tpu.sem_alloc : memref<!tpu.dma_semaphore, #tpu.memory_space<semaphore_mem>>
        %dma_start3A_82 = arith.constant 160 : i32
        %dma_start3A_83 = tpu.memref_slice %arg7[%dma_start3A_82] : memref<320xi32, #tpu.memory_space<vmem>> -> memref<160xi32, #tpu.memory_space<vmem>>
        %dma_start3A_84 = arith.constant 0 : i32
        %dma_start3A_85 = arith.constant 0 : i32
        %dma_start3A_86 = tpu.memref_slice %arg12[%dma_start3A_84, %dma_start3A_85] : memref<10000x128xf32, #tpu.memory_space<vmem_shared>> -> memref<10000x128xf32, #tpu.memory_space<vmem_shared>>
        tpu.enqueue_indirect_dma source(%arg9 : memref<160x128xf32, #tpu.memory_space<vmem>>) target(%dma_start3A_86 : memref<10000x128xf32, #tpu.memory_space<vmem_shared>>) offsets(%dma_start3A_83 : memref<160xi32, #tpu.memory_space<vmem>>) semaphore(%run_scoped3A : memref<!tpu.dma_semaphore, #tpu.memory_space<semaphore_mem>>) {add = true}
        %dma_wait3A_87 = arith.constant 160 : i32
        %dma_wait3A_88 = tpu.memref_slice %arg7[%dma_wait3A_87] : memref<320xi32, #tpu.memory_space<vmem>> -> memref<160xi32, #tpu.memory_space<vmem>>
        %dma_wait3A_89 = arith.constant 0 : i32
        %dma_wait3A_90 = arith.constant 0 : i32
        %dma_wait3A_91 = tpu.memref_slice %arg12[%dma_wait3A_89, %dma_wait3A_90] : memref<10000x128xf32, #tpu.memory_space<vmem_shared>> -> memref<10000x128xf32, #tpu.memory_space<vmem_shared>>
        tpu.wait_indirect_dma semaphore(%run_scoped3A : memref<!tpu.dma_semaphore, #tpu.memory_space<semaphore_mem>>) src(%arg9 : memref<160x128xf32, #tpu.memory_space<vmem>>) dst(%dma_wait3A_91 : memref<10000x128xf32, #tpu.memory_space<vmem_shared>>)
        tpu.yield
      }) : () -> ()
      %mul3A_74 = arith.constant 2 : i32
      %mul3A_75 = arith.muli %mul3A_74, %add3A_44 : i32
      %add3A_76 = arith.constant 3 : i32
      %add3A_77 = arith.addi %mul3A_75, %add3A_76 : i32
      %lt3A = arith.constant 125 : i32
      %lt3A_78 = arith.cmpi slt, %add3A_77, %lt3A : i32
      %convert_element_type3A_79 = arith.extui %lt3A_78 : i1 to i32
      %cond3A_80 = arith.constant 0 : i32
      %cond3A_81 = arith.cmpi ne, %convert_element_type3A_79, %cond3A_80 : i32
      scf.if %cond3A_81 {
        %mul3A_82 = arith.constant 2 : i32
        %mul3A_83 = arith.muli %mul3A_82, %add3A_44 : i32
        %add3A_84 = arith.constant 3 : i32
        %add3A_85 = arith.addi %mul3A_83, %add3A_84 : i32
        %mul3A_86 = arith.constant 2 : i32
        %mul3A_87 = arith.muli %add3A_85, %mul3A_86 : i32
        %mul3A_88 = arith.constant 160 : i32
        %mul3A_89 = arith.muli %mul3A_87, %mul3A_88 : i32
        %add3A_90 = arith.addi %mul3A_10, %mul3A_89 : i32
        "tpu.region"() ({
          %run_scoped3A = tpu.sem_alloc : memref<!tpu.dma_semaphore, #tpu.memory_space<semaphore_mem>>
          %dma_start3A_91 = tpu.memref_slice %arg3[%add3A_90] : memref<1280000xi32, #tpu.memory_space<hbm>> -> memref<320xi32, #tpu.memory_space<hbm>>
          %dma_start3A_92 = tpu.memref_slice %arg3[%add3A_90] : memref<1280000xi32, #tpu.memory_space<hbm>> -> memref<320xi32, #tpu.memory_space<hbm>>
          tpu.enqueue_dma source(%dma_start3A_92 : memref<320xi32, #tpu.memory_space<hbm>>) target(%arg7 : memref<320xi32, #tpu.memory_space<vmem>>) target_semaphore(%run_scoped3A : memref<!tpu.dma_semaphore, #tpu.memory_space<semaphore_mem>>)
          %dma_wait3A_93 = tpu.memref_slice %arg3[%add3A_90] : memref<1280000xi32, #tpu.memory_space<hbm>> -> memref<320xi32, #tpu.memory_space<hbm>>
          %dma_wait3A_94 = tpu.memref_slice %arg3[%add3A_90] : memref<1280000xi32, #tpu.memory_space<hbm>> -> memref<320xi32, #tpu.memory_space<hbm>>
          tpu.wait_dma2 semaphore(%run_scoped3A : memref<!tpu.dma_semaphore, #tpu.memory_space<semaphore_mem>>) src(%dma_wait3A_94 : memref<320xi32, #tpu.memory_space<hbm>>) dst(%arg7 : memref<320xi32, #tpu.memory_space<vmem>>)
          tpu.yield
        }) : () -> ()
      } else {
      }
    }
    %scan3A_22 = arith.constant 62 : i32
    %dma_wait3A = arith.constant 0 : i32
    %dma_wait3A_23 = tpu.memref_slice %arg6[%dma_wait3A] : memref<320xi32, #tpu.memory_space<vmem>> -> memref<160xi32, #tpu.memory_space<vmem>>
    %dma_wait3A_24 = arith.constant 0 : i32
    %dma_wait3A_25 = arith.constant 0 : i32
    %dma_wait3A_26 = tpu.memref_slice %arg2[%dma_wait3A_24, %dma_wait3A_25] : memref<20000x128xf32, #tpu.memory_space<hbm>> -> memref<20000x128xf32, #tpu.memory_space<hbm>>
    tpu.wait_indirect_dma semaphore(%arg10 : memref<!tpu.dma_semaphore, #tpu.memory_space<semaphore_mem>>) src(%dma_wait3A_26 : memref<20000x128xf32, #tpu.memory_space<hbm>>) dst(%arg8 : memref<160x128xf32, #tpu.memory_space<vmem>>)
    "tpu.region"() ({
      %run_scoped3A = tpu.sem_alloc : memref<!tpu.dma_semaphore, #tpu.memory_space<semaphore_mem>>
      %dma_start3A_40 = arith.constant 160 : i32
      %dma_start3A_41 = tpu.memref_slice %arg6[%dma_start3A_40] : memref<320xi32, #tpu.memory_space<vmem>> -> memref<160xi32, #tpu.memory_space<vmem>>
      %dma_start3A_42 = arith.constant 0 : i32
      %dma_start3A_43 = arith.constant 0 : i32
      %dma_start3A_44 = tpu.memref_slice %arg12[%dma_start3A_42, %dma_start3A_43] : memref<10000x128xf32, #tpu.memory_space<vmem_shared>> -> memref<10000x128xf32, #tpu.memory_space<vmem_shared>>
      tpu.enqueue_indirect_dma source(%arg8 : memref<160x128xf32, #tpu.memory_space<vmem>>) target(%dma_start3A_44 : memref<10000x128xf32, #tpu.memory_space<vmem_shared>>) offsets(%dma_start3A_41 : memref<160xi32, #tpu.memory_space<vmem>>) semaphore(%run_scoped3A : memref<!tpu.dma_semaphore, #tpu.memory_space<semaphore_mem>>) {add = true}
      %dma_wait3A_45 = arith.constant 160 : i32
      %dma_wait3A_46 = tpu.memref_slice %arg6[%dma_wait3A_45] : memref<320xi32, #tpu.memory_space<vmem>> -> memref<160xi32, #tpu.memory_space<vmem>>
      %dma_wait3A_47 = arith.constant 0 : i32
      %dma_wait3A_48 = arith.constant 0 : i32
      %dma_wait3A_49 = tpu.memref_slice %arg12[%dma_wait3A_47, %dma_wait3A_48] : memref<10000x128xf32, #tpu.memory_space<vmem_shared>> -> memref<10000x128xf32, #tpu.memory_space<vmem_shared>>
      tpu.wait_indirect_dma semaphore(%run_scoped3A : memref<!tpu.dma_semaphore, #tpu.memory_space<semaphore_mem>>) src(%arg8 : memref<160x128xf32, #tpu.memory_space<vmem>>) dst(%dma_wait3A_49 : memref<10000x128xf32, #tpu.memory_space<vmem_shared>>)
      tpu.yield
    }) : () -> ()
    %barrier3A_27 = arith.constant 0 : index
    tpu.barrier barrier_id(%barrier3A_27)
    %mul3A_28 = arith.constant 624 : i32
    %mul3A_29 = arith.muli %arg1, %mul3A_28 : i32
    %mul3A_30 = arith.constant 10000 : i32
    %mul3A_31 = arith.muli %arg0, %mul3A_30 : i32
    %mul3A_32 = arith.constant 624 : i32
    %mul3A_33 = arith.muli %arg1, %mul3A_32 : i32
    %add3A_34 = arith.addi %mul3A_31, %mul3A_33 : i32
    "tpu.region"() ({
      %run_scoped3A = tpu.sem_alloc : memref<!tpu.dma_semaphore, #tpu.memory_space<semaphore_mem>>
      %dma_start3A_40 = arith.constant 0 : i32
      %dma_start3A_41 = tpu.memref_slice %arg5[%add3A_34, %dma_start3A_40] : memref<20000x128xf32, #tpu.memory_space<hbm>> -> memref<624x128xf32, #tpu.memory_space<hbm>>
      %dma_start3A_42 = arith.constant 0 : i32
      %dma_start3A_43 = tpu.memref_slice %arg12[%mul3A_29, %dma_start3A_42] : memref<10000x128xf32, #tpu.memory_space<vmem_shared>> -> memref<624x128xf32, #tpu.memory_space<vmem_shared>>
      tpu.enqueue_dma source(%dma_start3A_43 : memref<624x128xf32, #tpu.memory_space<vmem_shared>>) target(%dma_start3A_41 : memref<624x128xf32, #tpu.memory_space<hbm>>) target_semaphore(%run_scoped3A : memref<!tpu.dma_semaphore, #tpu.memory_space<semaphore_mem>>)
      %dma_wait3A_44 = arith.constant 0 : i32
      %dma_wait3A_45 = tpu.memref_slice %arg5[%add3A_34, %dma_wait3A_44] : memref<20000x128xf32, #tpu.memory_space<hbm>> -> memref<624x128xf32, #tpu.memory_space<hbm>>
      %dma_wait3A_46 = arith.constant 0 : i32
      %dma_wait3A_47 = tpu.memref_slice %arg12[%mul3A_29, %dma_wait3A_46] : memref<10000x128xf32, #tpu.memory_space<vmem_shared>> -> memref<624x128xf32, #tpu.memory_space<vmem_shared>>
      tpu.wait_dma2 semaphore(%run_scoped3A : memref<!tpu.dma_semaphore, #tpu.memory_space<semaphore_mem>>) src(%dma_wait3A_47 : memref<624x128xf32, #tpu.memory_space<vmem_shared>>) dst(%dma_wait3A_45 : memref<624x128xf32, #tpu.memory_space<hbm>>)
      tpu.yield
    }) : () -> ()
    %eq3A_35 = arith.constant 15 : i32
    %eq3A_36 = arith.cmpi eq, %arg1, %eq3A_35 : i32
    %convert_element_type3A_37 = arith.extui %eq3A_36 : i1 to i32
    %cond3A_38 = arith.constant 0 : i32
    %cond3A_39 = arith.cmpi ne, %convert_element_type3A_37, %cond3A_38 : i32
    scf.if %cond3A_39 {
      %mul3A_40 = arith.constant 10000 : i32
      %mul3A_41 = arith.muli %arg0, %mul3A_40 : i32
      %add3A_42 = arith.constant 9984 : i32
      %add3A_43 = arith.addi %mul3A_41, %add3A_42 : i32
      "tpu.region"() ({
        %run_scoped3A = tpu.sem_alloc : memref<!tpu.dma_semaphore, #tpu.memory_space<semaphore_mem>>
        %dma_start3A_44 = arith.constant 0 : i32
        %dma_start3A_45 = tpu.memref_slice %arg5[%add3A_43, %dma_start3A_44] : memref<20000x128xf32, #tpu.memory_space<hbm>> -> memref<16x128xf32, #tpu.memory_space<hbm>>
        %dma_start3A_46 = arith.constant 9984 : i32
        %dma_start3A_47 = arith.constant 0 : i32
        %dma_start3A_48 = tpu.memref_slice %arg12[%dma_start3A_46, %dma_start3A_47] : memref<10000x128xf32, #tpu.memory_space<vmem_shared>> -> memref<16x128xf32, #tpu.memory_space<vmem_shared>>
        tpu.enqueue_dma source(%dma_start3A_48 : memref<16x128xf32, #tpu.memory_space<vmem_shared>>) target(%dma_start3A_45 : memref<16x128xf32, #tpu.memory_space<hbm>>) target_semaphore(%run_scoped3A : memref<!tpu.dma_semaphore, #tpu.memory_space<semaphore_mem>>)
        %dma_wait3A_49 = arith.constant 0 : i32
        %dma_wait3A_50 = tpu.memref_slice %arg5[%add3A_43, %dma_wait3A_49] : memref<20000x128xf32, #tpu.memory_space<hbm>> -> memref<16x128xf32, #tpu.memory_space<hbm>>
        %dma_wait3A_51 = arith.constant 9984 : i32
        %dma_wait3A_52 = arith.constant 0 : i32
        %dma_wait3A_53 = tpu.memref_slice %arg12[%dma_wait3A_51, %dma_wait3A_52] : memref<10000x128xf32, #tpu.memory_space<vmem_shared>> -> memref<16x128xf32, #tpu.memory_space<vmem_shared>>
        tpu.wait_dma2 semaphore(%run_scoped3A : memref<!tpu.dma_semaphore, #tpu.memory_space<semaphore_mem>>) src(%dma_wait3A_53 : memref<16x128xf32, #tpu.memory_space<vmem_shared>>) dst(%dma_wait3A_50 : memref<16x128xf32, #tpu.memory_space<hbm>>)
        tpu.yield
      }) : () -> ()
    } else {
    }
    return
  }
}

#map = affine_map<(d0, d1) -> (0, 0)>
#map1 = affine_map<(d0, d1) -> (0)>
module attributes {stable_mosaic.version = 14 : i64} {
  func.func @_agg_kernel(%arg0: i32, %arg1: i32, %arg2: memref<20000x128xf32, #tpu.memory_space<hbm>>, %arg3: memref<1280000xi32, #tpu.memory_space<hbm>>, %arg4: memref<10000x128xf32, #tpu.memory_space<hbm>>, %arg5: memref<20000x128xf32, #tpu.memory_space<hbm>>, %arg6: memref<320xi32, #tpu.memory_space<vmem>>, %arg7: memref<320xi32, #tpu.memory_space<vmem>>, %arg8: memref<160x128xf32, #tpu.memory_space<vmem>>, %arg9: memref<160x128xf32, #tpu.memory_space<vmem>>, %arg10: memref<!tpu.dma_semaphore, #tpu.memory_space<semaphore_mem>>, %arg11: memref<!tpu.dma_semaphore, #tpu.memory_space<semaphore_mem>>, %arg12: memref<10000x128xf32, #tpu.memory_space<vmem_shared>>) attributes {dimension_semantics = [#tpu.dimension_semantics<core_parallel>, #tpu.dimension_semantics<subcore_parallel>], iteration_bounds = array<i64: 2, 16>, scalar_prefetch = 0 : i64, scratch_operands = 7 : i64, tpu.core_type = #tpu.core_type<sc_vector_subcore>, window_params = [{transform_indices = #map}, {transform_indices = #map1}, {transform_indices = #map}, {transform_indices = #map}]} {
    %mul3A = arith.constant 624 : i32
    %mul3A_0 = arith.muli %arg1, %mul3A : i32
    %mul3A_1 = arith.constant 624 : i32
    %mul3A_2 = arith.muli %arg1, %mul3A_1 : i32
    "tpu.region"() ({
      %run_scoped3A = tpu.sem_alloc : memref<!tpu.dma_semaphore, #tpu.memory_space<semaphore_mem>>
      %dma_start3A_40 = arith.constant 0 : i32
      %dma_start3A_41 = tpu.memref_slice %arg12[%mul3A_2, %dma_start3A_40] : memref<10000x128xf32, #tpu.memory_space<vmem_shared>> -> memref<624x128xf32, #tpu.memory_space<vmem_shared>>
      %dma_start3A_42 = arith.constant 0 : i32
      %dma_start3A_43 = tpu.memref_slice %arg4[%mul3A_0, %dma_start3A_42] : memref<10000x128xf32, #tpu.memory_space<hbm>> -> memref<624x128xf32, #tpu.memory_space<hbm>>
      tpu.enqueue_dma source(%dma_start3A_43 : memref<624x128xf32, #tpu.memory_space<hbm>>) target(%dma_start3A_41 : memref<624x128xf32, #tpu.memory_space<vmem_shared>>) target_semaphore(%run_scoped3A : memref<!tpu.dma_semaphore, #tpu.memory_space<semaphore_mem>>)
      %dma_wait3A_44 = arith.constant 0 : i32
      %dma_wait3A_45 = tpu.memref_slice %arg12[%mul3A_2, %dma_wait3A_44] : memref<10000x128xf32, #tpu.memory_space<vmem_shared>> -> memref<624x128xf32, #tpu.memory_space<vmem_shared>>
      %dma_wait3A_46 = arith.constant 0 : i32
      %dma_wait3A_47 = tpu.memref_slice %arg4[%mul3A_0, %dma_wait3A_46] : memref<10000x128xf32, #tpu.memory_space<hbm>> -> memref<624x128xf32, #tpu.memory_space<hbm>>
      tpu.wait_dma2 semaphore(%run_scoped3A : memref<!tpu.dma_semaphore, #tpu.memory_space<semaphore_mem>>) src(%dma_wait3A_47 : memref<624x128xf32, #tpu.memory_space<hbm>>) dst(%dma_wait3A_45 : memref<624x128xf32, #tpu.memory_space<vmem_shared>>)
      tpu.yield
    }) : () -> ()
    %eq3A = arith.constant 15 : i32
    %eq3A_3 = arith.cmpi eq, %arg1, %eq3A : i32
    %convert_element_type3A = arith.extui %eq3A_3 : i1 to i32
    %cond3A = arith.constant 0 : i32
    %cond3A_4 = arith.cmpi ne, %convert_element_type3A, %cond3A : i32
    scf.if %cond3A_4 {
      "tpu.region"() ({
        %run_scoped3A = tpu.sem_alloc : memref<!tpu.dma_semaphore, #tpu.memory_space<semaphore_mem>>
        %dma_start3A_40 = arith.constant 9984 : i32
        %dma_start3A_41 = arith.constant 0 : i32
        %dma_start3A_42 = tpu.memref_slice %arg12[%dma_start3A_40, %dma_start3A_41] : memref<10000x128xf32, #tpu.memory_space<vmem_shared>> -> memref<16x128xf32, #tpu.memory_space<vmem_shared>>
        %dma_start3A_43 = arith.constant 9984 : i32
        %dma_start3A_44 = arith.constant 0 : i32
        %dma_start3A_45 = tpu.memref_slice %arg4[%dma_start3A_43, %dma_start3A_44] : memref<10000x128xf32, #tpu.memory_space<hbm>> -> memref<16x128xf32, #tpu.memory_space<hbm>>
        tpu.enqueue_dma source(%dma_start3A_45 : memref<16x128xf32, #tpu.memory_space<hbm>>) target(%dma_start3A_42 : memref<16x128xf32, #tpu.memory_space<vmem_shared>>) target_semaphore(%run_scoped3A : memref<!tpu.dma_semaphore, #tpu.memory_space<semaphore_mem>>)
        %dma_wait3A_46 = arith.constant 9984 : i32
        %dma_wait3A_47 = arith.constant 0 : i32
        %dma_wait3A_48 = tpu.memref_slice %arg12[%dma_wait3A_46, %dma_wait3A_47] : memref<10000x128xf32, #tpu.memory_space<vmem_shared>> -> memref<16x128xf32, #tpu.memory_space<vmem_shared>>
        %dma_wait3A_49 = arith.constant 9984 : i32
        %dma_wait3A_50 = arith.constant 0 : i32
        %dma_wait3A_51 = tpu.memref_slice %arg4[%dma_wait3A_49, %dma_wait3A_50] : memref<10000x128xf32, #tpu.memory_space<hbm>> -> memref<16x128xf32, #tpu.memory_space<hbm>>
        tpu.wait_dma2 semaphore(%run_scoped3A : memref<!tpu.dma_semaphore, #tpu.memory_space<semaphore_mem>>) src(%dma_wait3A_51 : memref<16x128xf32, #tpu.memory_space<hbm>>) dst(%dma_wait3A_48 : memref<16x128xf32, #tpu.memory_space<vmem_shared>>)
        tpu.yield
      }) : () -> ()
    } else {
    }
    %barrier3A = arith.constant 0 : index
    tpu.barrier barrier_id(%barrier3A)
    %mul3A_5 = arith.constant 16 : i32
    %mul3A_6 = arith.muli %arg0, %mul3A_5 : i32
    %add3A = arith.addi %mul3A_6, %arg1 : i32
    %mul3A_7 = arith.constant 20000 : i32
    %mul3A_8 = arith.muli %add3A, %mul3A_7 : i32
    %mul3A_9 = arith.constant 2 : i32
    %mul3A_10 = arith.muli %mul3A_8, %mul3A_9 : i32
    %add3A_11 = arith.constant 0 : i32
    %add3A_12 = arith.addi %mul3A_10, %add3A_11 : i32
    "tpu.region"() ({
      %run_scoped3A = tpu.sem_alloc : memref<!tpu.dma_semaphore, #tpu.memory_space<semaphore_mem>>
      %dma_start3A_40 = tpu.memref_slice %arg3[%add3A_12] : memref<1280000xi32, #tpu.memory_space<hbm>> -> memref<320xi32, #tpu.memory_space<hbm>>
      %dma_start3A_41 = tpu.memref_slice %arg3[%add3A_12] : memref<1280000xi32, #tpu.memory_space<hbm>> -> memref<320xi32, #tpu.memory_space<hbm>>
      tpu.enqueue_dma source(%dma_start3A_41 : memref<320xi32, #tpu.memory_space<hbm>>) target(%arg6 : memref<320xi32, #tpu.memory_space<vmem>>) target_semaphore(%run_scoped3A : memref<!tpu.dma_semaphore, #tpu.memory_space<semaphore_mem>>)
      %dma_wait3A_42 = tpu.memref_slice %arg3[%add3A_12] : memref<1280000xi32, #tpu.memory_space<hbm>> -> memref<320xi32, #tpu.memory_space<hbm>>
      %dma_wait3A_43 = tpu.memref_slice %arg3[%add3A_12] : memref<1280000xi32, #tpu.memory_space<hbm>> -> memref<320xi32, #tpu.memory_space<hbm>>
      tpu.wait_dma2 semaphore(%run_scoped3A : memref<!tpu.dma_semaphore, #tpu.memory_space<semaphore_mem>>) src(%dma_wait3A_43 : memref<320xi32, #tpu.memory_space<hbm>>) dst(%arg6 : memref<320xi32, #tpu.memory_space<vmem>>)
      tpu.yield
    }) : () -> ()
    %dma_start3A = arith.constant 0 : i32
    %dma_start3A_13 = tpu.memref_slice %arg6[%dma_start3A] : memref<320xi32, #tpu.memory_space<vmem>> -> memref<160xi32, #tpu.memory_space<vmem>>
    %dma_start3A_14 = arith.constant 0 : i32
    %dma_start3A_15 = arith.constant 0 : i32
    %dma_start3A_16 = tpu.memref_slice %arg2[%dma_start3A_14, %dma_start3A_15] : memref<20000x128xf32, #tpu.memory_space<hbm>> -> memref<20000x128xf32, #tpu.memory_space<hbm>>
    tpu.enqueue_indirect_dma source(%dma_start3A_16 : memref<20000x128xf32, #tpu.memory_space<hbm>>) target(%arg8 : memref<160x128xf32, #tpu.memory_space<vmem>>) offsets(%dma_start3A_13 : memref<160xi32, #tpu.memory_space<vmem>>) semaphore(%arg10 : memref<!tpu.dma_semaphore, #tpu.memory_space<semaphore_mem>>)
    %add3A_17 = arith.constant 320 : i32
    %add3A_18 = arith.addi %mul3A_10, %add3A_17 : i32
    "tpu.region"() ({
      %run_scoped3A = tpu.sem_alloc : memref<!tpu.dma_semaphore, #tpu.memory_space<semaphore_mem>>
      %dma_start3A_40 = tpu.memref_slice %arg3[%add3A_18] : memref<1280000xi32, #tpu.memory_space<hbm>> -> memref<320xi32, #tpu.memory_space<hbm>>
      %dma_start3A_41 = tpu.memref_slice %arg3[%add3A_18] : memref<1280000xi32, #tpu.memory_space<hbm>> -> memref<320xi32, #tpu.memory_space<hbm>>
      tpu.enqueue_dma source(%dma_start3A_41 : memref<320xi32, #tpu.memory_space<hbm>>) target(%arg7 : memref<320xi32, #tpu.memory_space<vmem>>) target_semaphore(%run_scoped3A : memref<!tpu.dma_semaphore, #tpu.memory_space<semaphore_mem>>)
      %dma_wait3A_42 = tpu.memref_slice %arg3[%add3A_18] : memref<1280000xi32, #tpu.memory_space<hbm>> -> memref<320xi32, #tpu.memory_space<hbm>>
      %dma_wait3A_43 = tpu.memref_slice %arg3[%add3A_18] : memref<1280000xi32, #tpu.memory_space<hbm>> -> memref<320xi32, #tpu.memory_space<hbm>>
      tpu.wait_dma2 semaphore(%run_scoped3A : memref<!tpu.dma_semaphore, #tpu.memory_space<semaphore_mem>>) src(%dma_wait3A_43 : memref<320xi32, #tpu.memory_space<hbm>>) dst(%arg7 : memref<320xi32, #tpu.memory_space<vmem>>)
      tpu.yield
    }) : () -> ()
    %scan3A = arith.constant 0 : i32
    %scan3A_19 = arith.constant 62 : i32
    %scan3A_20 = arith.addi %scan3A, %scan3A_19 : i32
    %scan3A_21 = arith.constant 1 : i32
    scf.for %scan3A_40 = %scan3A to %scan3A_20 step %scan3A_21  : i32 {
      %mul3A_41 = arith.constant 1 : i32
      %mul3A_42 = arith.muli %scan3A_40, %mul3A_41 : i32
      %add3A_43 = arith.constant 0 : i32
      %add3A_44 = arith.addi %add3A_43, %mul3A_42 : i32
      %dma_start3A_45 = arith.constant 0 : i32
      %dma_start3A_46 = tpu.memref_slice %arg7[%dma_start3A_45] : memref<320xi32, #tpu.memory_space<vmem>> -> memref<160xi32, #tpu.memory_space<vmem>>
      %dma_start3A_47 = arith.constant 0 : i32
      %dma_start3A_48 = arith.constant 0 : i32
      %dma_start3A_49 = tpu.memref_slice %arg2[%dma_start3A_47, %dma_start3A_48] : memref<20000x128xf32, #tpu.memory_space<hbm>> -> memref<20000x128xf32, #tpu.memory_space<hbm>>
      tpu.enqueue_indirect_dma source(%dma_start3A_49 : memref<20000x128xf32, #tpu.memory_space<hbm>>) target(%arg9 : memref<160x128xf32, #tpu.memory_space<vmem>>) offsets(%dma_start3A_46 : memref<160xi32, #tpu.memory_space<vmem>>) semaphore(%arg11 : memref<!tpu.dma_semaphore, #tpu.memory_space<semaphore_mem>>)
      %dma_wait3A_50 = arith.constant 0 : i32
      %dma_wait3A_51 = tpu.memref_slice %arg6[%dma_wait3A_50] : memref<320xi32, #tpu.memory_space<vmem>> -> memref<160xi32, #tpu.memory_space<vmem>>
      %dma_wait3A_52 = arith.constant 0 : i32
      %dma_wait3A_53 = arith.constant 0 : i32
      %dma_wait3A_54 = tpu.memref_slice %arg2[%dma_wait3A_52, %dma_wait3A_53] : memref<20000x128xf32, #tpu.memory_space<hbm>> -> memref<20000x128xf32, #tpu.memory_space<hbm>>
      tpu.wait_indirect_dma semaphore(%arg10 : memref<!tpu.dma_semaphore, #tpu.memory_space<semaphore_mem>>) src(%dma_wait3A_54 : memref<20000x128xf32, #tpu.memory_space<hbm>>) dst(%arg8 : memref<160x128xf32, #tpu.memory_space<vmem>>)
      "tpu.region"() ({
        %run_scoped3A = tpu.sem_alloc : memref<!tpu.dma_semaphore, #tpu.memory_space<semaphore_mem>>
        %dma_start3A_82 = arith.constant 160 : i32
        %dma_start3A_83 = tpu.memref_slice %arg6[%dma_start3A_82] : memref<320xi32, #tpu.memory_space<vmem>> -> memref<160xi32, #tpu.memory_space<vmem>>
        %dma_start3A_84 = arith.constant 0 : i32
        %dma_start3A_85 = arith.constant 0 : i32
        %dma_start3A_86 = tpu.memref_slice %arg12[%dma_start3A_84, %dma_start3A_85] : memref<10000x128xf32, #tpu.memory_space<vmem_shared>> -> memref<10000x128xf32, #tpu.memory_space<vmem_shared>>
        tpu.enqueue_indirect_dma source(%arg8 : memref<160x128xf32, #tpu.memory_space<vmem>>) target(%dma_start3A_86 : memref<10000x128xf32, #tpu.memory_space<vmem_shared>>) offsets(%dma_start3A_83 : memref<160xi32, #tpu.memory_space<vmem>>) semaphore(%run_scoped3A : memref<!tpu.dma_semaphore, #tpu.memory_space<semaphore_mem>>) {add = true}
        %dma_wait3A_87 = arith.constant 160 : i32
        %dma_wait3A_88 = tpu.memref_slice %arg6[%dma_wait3A_87] : memref<320xi32, #tpu.memory_space<vmem>> -> memref<160xi32, #tpu.memory_space<vmem>>
        %dma_wait3A_89 = arith.constant 0 : i32
        %dma_wait3A_90 = arith.constant 0 : i32
        %dma_wait3A_91 = tpu.memref_slice %arg12[%dma_wait3A_89, %dma_wait3A_90] : memref<10000x128xf32, #tpu.memory_space<vmem_shared>> -> memref<10000x128xf32, #tpu.memory_space<vmem_shared>>
        tpu.wait_indirect_dma semaphore(%run_scoped3A : memref<!tpu.dma_semaphore, #tpu.memory_space<semaphore_mem>>) src(%arg8 : memref<160x128xf32, #tpu.memory_space<vmem>>) dst(%dma_wait3A_91 : memref<10000x128xf32, #tpu.memory_space<vmem_shared>>)
        tpu.yield
      }) : () -> ()
      %mul3A_55 = arith.constant 2 : i32
      %mul3A_56 = arith.muli %mul3A_55, %add3A_44 : i32
      %add3A_57 = arith.constant 2 : i32
      %add3A_58 = arith.addi %mul3A_56, %add3A_57 : i32
      %mul3A_59 = arith.constant 2 : i32
      %mul3A_60 = arith.muli %add3A_58, %mul3A_59 : i32
      %mul3A_61 = arith.constant 160 : i32
      %mul3A_62 = arith.muli %mul3A_60, %mul3A_61 : i32
      %add3A_63 = arith.addi %mul3A_10, %mul3A_62 : i32
      "tpu.region"() ({
        %run_scoped3A = tpu.sem_alloc : memref<!tpu.dma_semaphore, #tpu.memory_space<semaphore_mem>>
        %dma_start3A_82 = tpu.memref_slice %arg3[%add3A_63] : memref<1280000xi32, #tpu.memory_space<hbm>> -> memref<320xi32, #tpu.memory_space<hbm>>
        %dma_start3A_83 = tpu.memref_slice %arg3[%add3A_63] : memref<1280000xi32, #tpu.memory_space<hbm>> -> memref<320xi32, #tpu.memory_space<hbm>>
        tpu.enqueue_dma source(%dma_start3A_83 : memref<320xi32, #tpu.memory_space<hbm>>) target(%arg6 : memref<320xi32, #tpu.memory_space<vmem>>) target_semaphore(%run_scoped3A : memref<!tpu.dma_semaphore, #tpu.memory_space<semaphore_mem>>)
        %dma_wait3A_84 = tpu.memref_slice %arg3[%add3A_63] : memref<1280000xi32, #tpu.memory_space<hbm>> -> memref<320xi32, #tpu.memory_space<hbm>>
        %dma_wait3A_85 = tpu.memref_slice %arg3[%add3A_63] : memref<1280000xi32, #tpu.memory_space<hbm>> -> memref<320xi32, #tpu.memory_space<hbm>>
        tpu.wait_dma2 semaphore(%run_scoped3A : memref<!tpu.dma_semaphore, #tpu.memory_space<semaphore_mem>>) src(%dma_wait3A_85 : memref<320xi32, #tpu.memory_space<hbm>>) dst(%arg6 : memref<320xi32, #tpu.memory_space<vmem>>)
        tpu.yield
      }) : () -> ()
      %dma_start3A_64 = arith.constant 0 : i32
      %dma_start3A_65 = tpu.memref_slice %arg6[%dma_start3A_64] : memref<320xi32, #tpu.memory_space<vmem>> -> memref<160xi32, #tpu.memory_space<vmem>>
      %dma_start3A_66 = arith.constant 0 : i32
      %dma_start3A_67 = arith.constant 0 : i32
      %dma_start3A_68 = tpu.memref_slice %arg2[%dma_start3A_66, %dma_start3A_67] : memref<20000x128xf32, #tpu.memory_space<hbm>> -> memref<20000x128xf32, #tpu.memory_space<hbm>>
      tpu.enqueue_indirect_dma source(%dma_start3A_68 : memref<20000x128xf32, #tpu.memory_space<hbm>>) target(%arg8 : memref<160x128xf32, #tpu.memory_space<vmem>>) offsets(%dma_start3A_65 : memref<160xi32, #tpu.memory_space<vmem>>) semaphore(%arg10 : memref<!tpu.dma_semaphore, #tpu.memory_space<semaphore_mem>>)
      %dma_wait3A_69 = arith.constant 0 : i32
      %dma_wait3A_70 = tpu.memref_slice %arg7[%dma_wait3A_69] : memref<320xi32, #tpu.memory_space<vmem>> -> memref<160xi32, #tpu.memory_space<vmem>>
      %dma_wait3A_71 = arith.constant 0 : i32
      %dma_wait3A_72 = arith.constant 0 : i32
      %dma_wait3A_73 = tpu.memref_slice %arg2[%dma_wait3A_71, %dma_wait3A_72] : memref<20000x128xf32, #tpu.memory_space<hbm>> -> memref<20000x128xf32, #tpu.memory_space<hbm>>
      tpu.wait_indirect_dma semaphore(%arg11 : memref<!tpu.dma_semaphore, #tpu.memory_space<semaphore_mem>>) src(%dma_wait3A_73 : memref<20000x128xf32, #tpu.memory_space<hbm>>) dst(%arg9 : memref<160x128xf32, #tpu.memory_space<vmem>>)
      "tpu.region"() ({
        %run_scoped3A = tpu.sem_alloc : memref<!tpu.dma_semaphore, #tpu.memory_space<semaphore_mem>>
        %dma_start3A_82 = arith.constant 160 : i32
        %dma_start3A_83 = tpu.memref_slice %arg7[%dma_start3A_82] : memref<320xi32, #tpu.memory_space<vmem>> -> memref<160xi32, #tpu.memory_space<vmem>>
        %dma_start3A_84 = arith.constant 0 : i32
        %dma_start3A_85 = arith.constant 0 : i32
        %dma_start3A_86 = tpu.memref_slice %arg12[%dma_start3A_84, %dma_start3A_85] : memref<10000x128xf32, #tpu.memory_space<vmem_shared>> -> memref<10000x128xf32, #tpu.memory_space<vmem_shared>>
        tpu.enqueue_indirect_dma source(%arg9 : memref<160x128xf32, #tpu.memory_space<vmem>>) target(%dma_start3A_86 : memref<10000x128xf32, #tpu.memory_space<vmem_shared>>) offsets(%dma_start3A_83 : memref<160xi32, #tpu.memory_space<vmem>>) semaphore(%run_scoped3A : memref<!tpu.dma_semaphore, #tpu.memory_space<semaphore_mem>>) {add = true}
        %dma_wait3A_87 = arith.constant 160 : i32
        %dma_wait3A_88 = tpu.memref_slice %arg7[%dma_wait3A_87] : memref<320xi32, #tpu.memory_space<vmem>> -> memref<160xi32, #tpu.memory_space<vmem>>
        %dma_wait3A_89 = arith.constant 0 : i32
        %dma_wait3A_90 = arith.constant 0 : i32
        %dma_wait3A_91 = tpu.memref_slice %arg12[%dma_wait3A_89, %dma_wait3A_90] : memref<10000x128xf32, #tpu.memory_space<vmem_shared>> -> memref<10000x128xf32, #tpu.memory_space<vmem_shared>>
        tpu.wait_indirect_dma semaphore(%run_scoped3A : memref<!tpu.dma_semaphore, #tpu.memory_space<semaphore_mem>>) src(%arg9 : memref<160x128xf32, #tpu.memory_space<vmem>>) dst(%dma_wait3A_91 : memref<10000x128xf32, #tpu.memory_space<vmem_shared>>)
        tpu.yield
      }) : () -> ()
      %mul3A_74 = arith.constant 2 : i32
      %mul3A_75 = arith.muli %mul3A_74, %add3A_44 : i32
      %add3A_76 = arith.constant 3 : i32
      %add3A_77 = arith.addi %mul3A_75, %add3A_76 : i32
      %lt3A = arith.constant 125 : i32
      %lt3A_78 = arith.cmpi slt, %add3A_77, %lt3A : i32
      %convert_element_type3A_79 = arith.extui %lt3A_78 : i1 to i32
      %cond3A_80 = arith.constant 0 : i32
      %cond3A_81 = arith.cmpi ne, %convert_element_type3A_79, %cond3A_80 : i32
      scf.if %cond3A_81 {
        %mul3A_82 = arith.constant 2 : i32
        %mul3A_83 = arith.muli %mul3A_82, %add3A_44 : i32
        %add3A_84 = arith.constant 3 : i32
        %add3A_85 = arith.addi %mul3A_83, %add3A_84 : i32
        %mul3A_86 = arith.constant 2 : i32
        %mul3A_87 = arith.muli %add3A_85, %mul3A_86 : i32
        %mul3A_88 = arith.constant 160 : i32
        %mul3A_89 = arith.muli %mul3A_87, %mul3A_88 : i32
        %add3A_90 = arith.addi %mul3A_10, %mul3A_89 : i32
        "tpu.region"() ({
          %run_scoped3A = tpu.sem_alloc : memref<!tpu.dma_semaphore, #tpu.memory_space<semaphore_mem>>
          %dma_start3A_91 = tpu.memref_slice %arg3[%add3A_90] : memref<1280000xi32, #tpu.memory_space<hbm>> -> memref<320xi32, #tpu.memory_space<hbm>>
          %dma_start3A_92 = tpu.memref_slice %arg3[%add3A_90] : memref<1280000xi32, #tpu.memory_space<hbm>> -> memref<320xi32, #tpu.memory_space<hbm>>
          tpu.enqueue_dma source(%dma_start3A_92 : memref<320xi32, #tpu.memory_space<hbm>>) target(%arg7 : memref<320xi32, #tpu.memory_space<vmem>>) target_semaphore(%run_scoped3A : memref<!tpu.dma_semaphore, #tpu.memory_space<semaphore_mem>>)
          %dma_wait3A_93 = tpu.memref_slice %arg3[%add3A_90] : memref<1280000xi32, #tpu.memory_space<hbm>> -> memref<320xi32, #tpu.memory_space<hbm>>
          %dma_wait3A_94 = tpu.memref_slice %arg3[%add3A_90] : memref<1280000xi32, #tpu.memory_space<hbm>> -> memref<320xi32, #tpu.memory_space<hbm>>
          tpu.wait_dma2 semaphore(%run_scoped3A : memref<!tpu.dma_semaphore, #tpu.memory_space<semaphore_mem>>) src(%dma_wait3A_94 : memref<320xi32, #tpu.memory_space<hbm>>) dst(%arg7 : memref<320xi32, #tpu.memory_space<vmem>>)
          tpu.yield
        }) : () -> ()
      } else {
      }
    }
    %scan3A_22 = arith.constant 62 : i32
    %dma_wait3A = arith.constant 0 : i32
    %dma_wait3A_23 = tpu.memref_slice %arg6[%dma_wait3A] : memref<320xi32, #tpu.memory_space<vmem>> -> memref<160xi32, #tpu.memory_space<vmem>>
    %dma_wait3A_24 = arith.constant 0 : i32
    %dma_wait3A_25 = arith.constant 0 : i32
    %dma_wait3A_26 = tpu.memref_slice %arg2[%dma_wait3A_24, %dma_wait3A_25] : memref<20000x128xf32, #tpu.memory_space<hbm>> -> memref<20000x128xf32, #tpu.memory_space<hbm>>
    tpu.wait_indirect_dma semaphore(%arg10 : memref<!tpu.dma_semaphore, #tpu.memory_space<semaphore_mem>>) src(%dma_wait3A_26 : memref<20000x128xf32, #tpu.memory_space<hbm>>) dst(%arg8 : memref<160x128xf32, #tpu.memory_space<vmem>>)
    "tpu.region"() ({
      %run_scoped3A = tpu.sem_alloc : memref<!tpu.dma_semaphore, #tpu.memory_space<semaphore_mem>>
      %dma_start3A_40 = arith.constant 160 : i32
      %dma_start3A_41 = tpu.memref_slice %arg6[%dma_start3A_40] : memref<320xi32, #tpu.memory_space<vmem>> -> memref<160xi32, #tpu.memory_space<vmem>>
      %dma_start3A_42 = arith.constant 0 : i32
      %dma_start3A_43 = arith.constant 0 : i32
      %dma_start3A_44 = tpu.memref_slice %arg12[%dma_start3A_42, %dma_start3A_43] : memref<10000x128xf32, #tpu.memory_space<vmem_shared>> -> memref<10000x128xf32, #tpu.memory_space<vmem_shared>>
      tpu.enqueue_indirect_dma source(%arg8 : memref<160x128xf32, #tpu.memory_space<vmem>>) target(%dma_start3A_44 : memref<10000x128xf32, #tpu.memory_space<vmem_shared>>) offsets(%dma_start3A_41 : memref<160xi32, #tpu.memory_space<vmem>>) semaphore(%run_scoped3A : memref<!tpu.dma_semaphore, #tpu.memory_space<semaphore_mem>>) {add = true}
      %dma_wait3A_45 = arith.constant 160 : i32
      %dma_wait3A_46 = tpu.memref_slice %arg6[%dma_wait3A_45] : memref<320xi32, #tpu.memory_space<vmem>> -> memref<160xi32, #tpu.memory_space<vmem>>
      %dma_wait3A_47 = arith.constant 0 : i32
      %dma_wait3A_48 = arith.constant 0 : i32
      %dma_wait3A_49 = tpu.memref_slice %arg12[%dma_wait3A_47, %dma_wait3A_48] : memref<10000x128xf32, #tpu.memory_space<vmem_shared>> -> memref<10000x128xf32, #tpu.memory_space<vmem_shared>>
      tpu.wait_indirect_dma semaphore(%run_scoped3A : memref<!tpu.dma_semaphore, #tpu.memory_space<semaphore_mem>>) src(%arg8 : memref<160x128xf32, #tpu.memory_space<vmem>>) dst(%dma_wait3A_49 : memref<10000x128xf32, #tpu.memory_space<vmem_shared>>)
      tpu.yield
    }) : () -> ()
    %barrier3A_27 = arith.constant 0 : index
    tpu.barrier barrier_id(%barrier3A_27)
    %mul3A_28 = arith.constant 624 : i32
    %mul3A_29 = arith.muli %arg1, %mul3A_28 : i32
    %mul3A_30 = arith.constant 10000 : i32
    %mul3A_31 = arith.muli %arg0, %mul3A_30 : i32
    %mul3A_32 = arith.constant 624 : i32
    %mul3A_33 = arith.muli %arg1, %mul3A_32 : i32
    %add3A_34 = arith.addi %mul3A_31, %mul3A_33 : i32
    "tpu.region"() ({
      %run_scoped3A = tpu.sem_alloc : memref<!tpu.dma_semaphore, #tpu.memory_space<semaphore_mem>>
      %dma_start3A_40 = arith.constant 0 : i32
      %dma_start3A_41 = tpu.memref_slice %arg5[%add3A_34, %dma_start3A_40] : memref<20000x128xf32, #tpu.memory_space<hbm>> -> memref<624x128xf32, #tpu.memory_space<hbm>>
      %dma_start3A_42 = arith.constant 0 : i32
      %dma_start3A_43 = tpu.memref_slice %arg12[%mul3A_29, %dma_start3A_42] : memref<10000x128xf32, #tpu.memory_space<vmem_shared>> -> memref<624x128xf32, #tpu.memory_space<vmem_shared>>
      tpu.enqueue_dma source(%dma_start3A_43 : memref<624x128xf32, #tpu.memory_space<vmem_shared>>) target(%dma_start3A_41 : memref<624x128xf32, #tpu.memory_space<hbm>>) target_semaphore(%run_scoped3A : memref<!tpu.dma_semaphore, #tpu.memory_space<semaphore_mem>>)
      %dma_wait3A_44 = arith.constant 0 : i32
      %dma_wait3A_45 = tpu.memref_slice %arg5[%add3A_34, %dma_wait3A_44] : memref<20000x128xf32, #tpu.memory_space<hbm>> -> memref<624x128xf32, #tpu.memory_space<hbm>>
      %dma_wait3A_46 = arith.constant 0 : i32
      %dma_wait3A_47 = tpu.memref_slice %arg12[%mul3A_29, %dma_wait3A_46] : memref<10000x128xf32, #tpu.memory_space<vmem_shared>> -> memref<624x128xf32, #tpu.memory_space<vmem_shared>>
      tpu.wait_dma2 semaphore(%run_scoped3A : memref<!tpu.dma_semaphore, #tpu.memory_space<semaphore_mem>>) src(%dma_wait3A_47 : memref<624x128xf32, #tpu.memory_space<vmem_shared>>) dst(%dma_wait3A_45 : memref<624x128xf32, #tpu.memory_space<hbm>>)
      tpu.yield
    }) : () -> ()
    %eq3A_35 = arith.constant 15 : i32
    %eq3A_36 = arith.cmpi eq, %arg1, %eq3A_35 : i32
    %convert_element_type3A_37 = arith.extui %eq3A_36 : i1 to i32
    %cond3A_38 = arith.constant 0 : i32
    %cond3A_39 = arith.cmpi ne, %convert_element_type3A_37, %cond3A_38 : i32
    scf.if %cond3A_39 {
      %mul3A_40 = arith.constant 10000 : i32
      %mul3A_41 = arith.muli %arg0, %mul3A_40 : i32
      %add3A_42 = arith.constant 9984 : i32
      %add3A_43 = arith.addi %mul3A_41, %add3A_42 : i32
      "tpu.region"() ({
        %run_scoped3A = tpu.sem_alloc : memref<!tpu.dma_semaphore, #tpu.memory_space<semaphore_mem>>
        %dma_start3A_44 = arith.constant 0 : i32
        %dma_start3A_45 = tpu.memref_slice %arg5[%add3A_43, %dma_start3A_44] : memref<20000x128xf32, #tpu.memory_space<hbm>> -> memref<16x128xf32, #tpu.memory_space<hbm>>
        %dma_start3A_46 = arith.constant 9984 : i32
        %dma_start3A_47 = arith.constant 0 : i32
        %dma_start3A_48 = tpu.memref_slice %arg12[%dma_start3A_46, %dma_start3A_47] : memref<10000x128xf32, #tpu.memory_space<vmem_shared>> -> memref<16x128xf32, #tpu.memory_space<vmem_shared>>
        tpu.enqueue_dma source(%dma_start3A_48 : memref<16x128xf32, #tpu.memory_space<vmem_shared>>) target(%dma_start3A_45 : memref<16x128xf32, #tpu.memory_space<hbm>>) target_semaphore(%run_scoped3A : memref<!tpu.dma_semaphore, #tpu.memory_space<semaphore_mem>>)
        %dma_wait3A_49 = arith.constant 0 : i32
        %dma_wait3A_50 = tpu.memref_slice %arg5[%add3A_43, %dma_wait3A_49] : memref<20000x128xf32, #tpu.memory_space<hbm>> -> memref<16x128xf32, #tpu.memory_space<hbm>>
        %dma_wait3A_51 = arith.constant 9984 : i32
        %dma_wait3A_52 = arith.constant 0 : i32
        %dma_wait3A_53 = tpu.memref_slice %arg12[%dma_wait3A_51, %dma_wait3A_52] : memref<10000x128xf32, #tpu.memory_space<vmem_shared>> -> memref<16x128xf32, #tpu.memory_space<vmem_shared>>
        tpu.wait_dma2 semaphore(%run_scoped3A : memref<!tpu.dma_semaphore, #tpu.memory_space<semaphore_mem>>) src(%dma_wait3A_53 : memref<16x128xf32, #tpu.memory_space<vmem_shared>>) dst(%dma_wait3A_50 : memref<16x128xf32, #tpu.memory_space<hbm>>)
        tpu.yield
      }) : () -> ()
    } else {
    }
    return
  }
}

module attributes {stable_mosaic.version = 14 : i64} {
  func.func @_mm1_body(%arg0: i32, %arg1: i32, %arg2: memref<1000x128xf32, #tpu.memory_space<vmem>>, %arg3: memref<128x128xf32, #tpu.memory_space<vmem>>, %arg4: memref<1000x16xf32, #tpu.memory_space<vmem>>, %arg5: memref<1x1000x128xf32, #tpu.memory_space<vmem>>) attributes {dimension_semantics = [#tpu.dimension_semantics<arbitrary>, #tpu.dimension_semantics<arbitrary>], iteration_bounds = array<i64: 2, 10>, scalar_prefetch = 0 : i64, scratch_operands = 0 : i64, tpu.core_type = #tpu.core_type<tc>, window_params = [{transform_indices = @transform_0, window_bounds = array<i64: 1000, 128>}, {transform_indices = @transform_1, window_bounds = array<i64: 128, 128>}, {transform_indices = @transform_2, window_bounds = array<i64: 1000, 16>}, {transform_indices = @transform_3, window_bounds = array<i64: 1, 1000, 128>}]} {
    %get3A = arith.constant 0 : index
    %get3A_0 = arith.constant 0 : index
    %get3A_1 = vector.load %arg4[%get3A, %get3A_0] : memref<1000x16xf32, #tpu.memory_space<vmem>>, vector<1000x1xf32>
    %gt3A = arith.constant 0.000000e+00 : f32
    %gt3A_2 = vector.broadcast %gt3A : f32 to vector<1000x1xf32>
    %gt3A_3 = arith.cmpf ogt, %get3A_1, %gt3A_2 : vector<1000x1xf32>
    %max3A = arith.constant 1.000000e+00 : f32
    %max3A_4 = vector.broadcast %max3A : f32 to vector<1000x1xf32>
    %max3A_5 = arith.maximumf %get3A_1, %max3A_4 : vector<1000x1xf32>
    %rsqrt3A = math.rsqrt %max3A_5 : vector<1000x1xf32>
    %jit3A = arith.constant 0.000000e+00 : f32
    %broadcast_in_dim3A = vector.broadcast %jit3A : f32 to vector<1000x1xf32>
    %select_n3A = arith.select %gt3A_3, %rsqrt3A, %broadcast_in_dim3A : vector<1000x1xi1>, vector<1000x1xf32>
    %get3A_6 = arith.constant 0 : index
    %get3A_7 = arith.constant 0 : index
    %get3A_8 = vector.load %arg2[%get3A_6, %get3A_7] : memref<1000x128xf32, #tpu.memory_space<vmem>>, vector<1000x128xf32>
    %get3A_9 = arith.constant 0 : index
    %get3A_10 = arith.constant 0 : index
    %get3A_11 = vector.load %arg3[%get3A_9, %get3A_10] : memref<128x128xf32, #tpu.memory_space<vmem>>, vector<128x128xf32>
    %dot_general3A = arith.constant dense<0.000000e+00> : vector<1000x128xf32>
    %dot_general3A_12 = tpu.matmul %get3A_8, %get3A_11, %dot_general3A {dimension_numbers = #tpu.dot_dimension_numbers<[1], [0], [0], [1], [0, 0, 1, 1], [], []>, precision = #tpu.contract_precision<fp32>, transpose_lhs_hint = false} : vector<1000x128xf32>, vector<128x128xf32>, vector<1000x128xf32> -> vector<1000x128xf32>
    %mul3A = vector.broadcast %select_n3A : vector<1000x1xf32> to vector<1000x128xf32>
    %mul3A_13 = arith.mulf %dot_general3A_12, %mul3A : vector<1000x128xf32>
    %swap3A = arith.constant 0 : index
    %swap3A_14 = arith.constant 0 : index
    %swap3A_15 = arith.constant 0 : index
    %swap3A_16 = vector.load %arg5[%swap3A, %swap3A_14, %swap3A_15] : memref<1x1000x128xf32, #tpu.memory_space<vmem>>, vector<1x1000x128xf32>
    %swap3A_17 = vector.shape_cast %swap3A_16 : vector<1x1000x128xf32> to vector<1000x128xf32>
    %swap3A_18 = vector.shape_cast %mul3A_13 : vector<1000x128xf32> to vector<1x1000x128xf32>
    tpu.vector_store %arg5[%swap3A, %swap3A_14, %swap3A_15], %swap3A_18 {strides = array<i32>} : memref<1x1000x128xf32, #tpu.memory_space<vmem>>, vector<1x1000x128xf32>,
    return
  }
  func.func @transform_0(%arg0: i32, %arg1: i32) -> (i32, i32) {
    %c0_i32 = arith.constant 0 : i32
    %c0_i32_0 = arith.constant 0 : i32
    return %arg1, %c0_i32 : i32, i32
  }
  func.func @transform_1(%arg0: i32, %arg1: i32) -> (i32, i32) {
    %c0_i32 = arith.constant 0 : i32
    %c0_i32_0 = arith.constant 0 : i32
    return %c0_i32, %arg0 : i32, i32
  }
  func.func @transform_2(%arg0: i32, %arg1: i32) -> (i32, i32) {
    %c0_i32 = arith.constant 0 : i32
    %c0_i32_0 = arith.constant 0 : i32
    return %arg1, %c0_i32 : i32, i32
  }
  func.func @transform_3(%arg0: i32, %arg1: i32) -> (i32, i32, i32) {
    %c0_i32 = arith.constant 0 : i32
    %c0_i32_0 = arith.constant 0 : i32
    return %arg0, %arg1, %c0_i32 : i32, i32, i32
  }
}

module attributes {stable_mosaic.version = 14 : i64} {
  func.func @_mm2_body(%arg0: i32, %arg1: i32, %arg2: memref<2x1000x128xf32, #tpu.memory_space<vmem>>, %arg3: memref<1000x16xf32, #tpu.memory_space<vmem>>, %arg4: memref<1000x16xf32, #tpu.memory_space<vmem>>, %arg5: memref<1x256xf32, #tpu.memory_space<vmem>>, %arg6: memref<256x128xf32, #tpu.memory_space<vmem>>, %arg7: memref<1x1000x128xf32, #tpu.memory_space<vmem>>) attributes {dimension_semantics = [#tpu.dimension_semantics<arbitrary>, #tpu.dimension_semantics<arbitrary>], iteration_bounds = array<i64: 2, 10>, scalar_prefetch = 0 : i64, scratch_operands = 0 : i64, tpu.core_type = #tpu.core_type<tc>, window_params = [{transform_indices = @transform_0, window_bounds = array<i64: 2, 1000, 128>}, {transform_indices = @transform_1, window_bounds = array<i64: 1000, 16>}, {transform_indices = @transform_2, window_bounds = array<i64: 1000, 16>}, {pipeline_mode = #tpu.pipeline_mode<synchronous>, transform_indices = @transform_3, window_bounds = array<i64: 1, 256>}, {transform_indices = @transform_4, window_bounds = array<i64: 256, 128>}, {transform_indices = @transform_5, window_bounds = array<i64: 1, 1000, 128>}]} {
    %get3A = arith.constant 0 : index
    %get3A_0 = arith.constant 0 : index
    %get3A_1 = vector.load %arg4[%get3A, %get3A_0] : memref<1000x16xf32, #tpu.memory_space<vmem>>, vector<1000x1xf32>
    %gt3A = arith.constant 0.000000e+00 : f32
    %gt3A_2 = vector.broadcast %gt3A : f32 to vector<1000x1xf32>
    %gt3A_3 = arith.cmpf ogt, %get3A_1, %gt3A_2 : vector<1000x1xf32>
    %max3A = arith.constant 1.000000e+00 : f32
    %max3A_4 = vector.broadcast %max3A : f32 to vector<1000x1xf32>
    %max3A_5 = arith.maximumf %get3A_1, %max3A_4 : vector<1000x1xf32>
    %rsqrt3A = math.rsqrt %max3A_5 : vector<1000x1xf32>
    %jit3A = arith.constant 0.000000e+00 : f32
    %broadcast_in_dim3A = vector.broadcast %jit3A : f32 to vector<1000x1xf32>
    %select_n3A = arith.select %gt3A_3, %rsqrt3A, %broadcast_in_dim3A : vector<1000x1xi1>, vector<1000x1xf32>
    %get3A_6 = arith.constant 0 : index
    %get3A_7 = arith.constant 0 : index
    %get3A_8 = vector.load %arg3[%get3A_6, %get3A_7] : memref<1000x16xf32, #tpu.memory_space<vmem>>, vector<1000x1xf32>
    %gt3A_9 = arith.constant 0.000000e+00 : f32
    %gt3A_10 = vector.broadcast %gt3A_9 : f32 to vector<1000x1xf32>
    %gt3A_11 = arith.cmpf ogt, %get3A_8, %gt3A_10 : vector<1000x1xf32>
    %max3A_12 = arith.constant 1.000000e+00 : f32
    %max3A_13 = vector.broadcast %max3A_12 : f32 to vector<1000x1xf32>
    %max3A_14 = arith.maximumf %get3A_8, %max3A_13 : vector<1000x1xf32>
    %rsqrt3A_15 = math.rsqrt %max3A_14 : vector<1000x1xf32>
    %jit3A_16 = arith.constant 0.000000e+00 : f32
    %broadcast_in_dim3A_17 = vector.broadcast %jit3A_16 : f32 to vector<1000x1xf32>
    %select_n3A_18 = arith.select %gt3A_11, %rsqrt3A_15, %broadcast_in_dim3A_17 : vector<1000x1xi1>, vector<1000x1xf32>
    %get3A_19 = arith.constant 0 : index
    %get3A_20 = arith.constant 0 : index
    %get3A_21 = arith.constant 0 : index
    %get3A_22 = vector.load %arg2[%get3A_19, %get3A_20, %get3A_21] : memref<2x1000x128xf32, #tpu.memory_space<vmem>>, vector<1x1000x128xf32>
    %get3A_23 = vector.shape_cast %get3A_22 : vector<1x1000x128xf32> to vector<1000x128xf32>
    %get3A_24 = arith.constant 1 : index
    %get3A_25 = arith.constant 0 : index
    %get3A_26 = arith.constant 0 : index
    %get3A_27 = vector.load %arg2[%get3A_24, %get3A_25, %get3A_26] : memref<2x1000x128xf32, #tpu.memory_space<vmem>>, vector<1x1000x128xf32>
    %get3A_28 = vector.shape_cast %get3A_27 : vector<1x1000x128xf32> to vector<1000x128xf32>
    %concatenate3A = tpu.concatenate %get3A_23, %get3A_28 in 1 : vector<1000x128xf32>, vector<1000x128xf32> -> vector<1000x256xf32>
    %mul3A = vector.broadcast %select_n3A : vector<1000x1xf32> to vector<1000x256xf32>
    %mul3A_29 = arith.mulf %concatenate3A, %mul3A : vector<1000x256xf32>
    %get3A_30 = arith.constant 0 : index
    %get3A_31 = arith.constant 0 : index
    %get3A_32 = vector.load %arg5[%get3A_30, %get3A_31] : memref<1x256xf32, #tpu.memory_space<vmem>>, vector<1x256xf32>
    %add3A = vector.broadcast %get3A_32 : vector<1x256xf32> to vector<1000x256xf32>
    %add3A_33 = arith.addf %mul3A_29, %add3A : vector<1000x256xf32>
    %max3A_34 = arith.constant 0.000000e+00 : f32
    %max3A_35 = vector.broadcast %max3A_34 : f32 to vector<1000x256xf32>
    %max3A_36 = arith.maximumf %add3A_33, %max3A_35 : vector<1000x256xf32>
    %get3A_37 = arith.constant 0 : index
    %get3A_38 = arith.constant 0 : index
    %get3A_39 = vector.load %arg6[%get3A_37, %get3A_38] : memref<256x128xf32, #tpu.memory_space<vmem>>, vector<256x128xf32>
    %dot_general3A = arith.constant dense<0.000000e+00> : vector<1000x128xf32>
    %dot_general3A_40 = tpu.matmul %max3A_36, %get3A_39, %dot_general3A {dimension_numbers = #tpu.dot_dimension_numbers<[1], [0], [0], [1], [0, 0, 1, 1], [], []>, precision = #tpu.contract_precision<fp32>, transpose_lhs_hint = false} : vector<1000x256xf32>, vector<256x128xf32>, vector<1000x128xf32> -> vector<1000x128xf32>
    %mul3A_41 = vector.broadcast %select_n3A_18 : vector<1000x1xf32> to vector<1000x128xf32>
    %mul3A_42 = arith.mulf %dot_general3A_40, %mul3A_41 : vector<1000x128xf32>
    %swap3A = arith.constant 0 : index
    %swap3A_43 = arith.constant 0 : index
    %swap3A_44 = arith.constant 0 : index
    %swap3A_45 = vector.load %arg7[%swap3A, %swap3A_43, %swap3A_44] : memref<1x1000x128xf32, #tpu.memory_space<vmem>>, vector<1x1000x128xf32>
    %swap3A_46 = vector.shape_cast %swap3A_45 : vector<1x1000x128xf32> to vector<1000x128xf32>
    %swap3A_47 = vector.shape_cast %mul3A_42 : vector<1000x128xf32> to vector<1x1000x128xf32>
    tpu.vector_store %arg7[%swap3A, %swap3A_43, %swap3A_44], %swap3A_47 {strides = array<i32>} : memref<1x1000x128xf32, #tpu.memory_space<vmem>>, vector<1x1000x128xf32>,
    return
  }
  func.func @transform_0(%arg0: i32, %arg1: i32) -> (i32, i32, i32) {
    %c0_i32 = arith.constant 0 : i32
    %c0_i32_0 = arith.constant 0 : i32
    %c0_i32_1 = arith.constant 0 : i32
    return %c0_i32, %arg1, %c0_i32_0 : i32, i32, i32
  }
  func.func @transform_1(%arg0: i32, %arg1: i32) -> (i32, i32) {
    %c0_i32 = arith.constant 0 : i32
    %c0_i32_0 = arith.constant 0 : i32
    return %arg1, %c0_i32 : i32, i32
  }
  func.func @transform_2(%arg0: i32, %arg1: i32) -> (i32, i32) {
    %c0_i32 = arith.constant 0 : i32
    %c0_i32_0 = arith.constant 0 : i32
    return %arg1, %c0_i32 : i32, i32
  }
  func.func @transform_3(%arg0: i32, %arg1: i32) -> (i32, i32) {
    %c0_i32 = arith.constant 0 : i32
    %c0_i32_0 = arith.constant 0 : i32
    %c0_i32_1 = arith.constant 0 : i32
    return %c0_i32, %c0_i32_0 : i32, i32
  }
  func.func @transform_4(%arg0: i32, %arg1: i32) -> (i32, i32) {
    %c0_i32 = arith.constant 0 : i32
    %c0_i32_0 = arith.constant 0 : i32
    return %c0_i32, %arg0 : i32, i32
  }
  func.func @transform_5(%arg0: i32, %arg1: i32) -> (i32, i32, i32) {
    %c0_i32 = arith.constant 0 : i32
    %c0_i32_0 = arith.constant 0 : i32
    return %arg0, %arg1, %c0_i32 : i32, i32, i32
  }
}

module attributes {stable_mosaic.version = 14 : i64} {
  func.func @_mm3_body(%arg0: i32, %arg1: memref<2x1000x128xf32, #tpu.memory_space<vmem>>, %arg2: memref<1000x16xf32, #tpu.memory_space<vmem>>, %arg3: memref<1x256xf32, #tpu.memory_space<vmem>>, %arg4: memref<1000x256xf32, #tpu.memory_space<vmem>>) attributes {dimension_semantics = [#tpu.dimension_semantics<arbitrary>], iteration_bounds = array<i64: 10>, scalar_prefetch = 0 : i64, scratch_operands = 0 : i64, tpu.core_type = #tpu.core_type<tc>, window_params = [{transform_indices = @transform_0, window_bounds = array<i64: 2, 1000, 128>}, {transform_indices = @transform_1, window_bounds = array<i64: 1000, 16>}, {pipeline_mode = #tpu.pipeline_mode<synchronous>, transform_indices = @transform_2, window_bounds = array<i64: 1, 256>}, {transform_indices = @transform_3, window_bounds = array<i64: 1000, 256>}]} {
    %get3A = arith.constant 0 : index
    %get3A_0 = arith.constant 0 : index
    %get3A_1 = vector.load %arg2[%get3A, %get3A_0] : memref<1000x16xf32, #tpu.memory_space<vmem>>, vector<1000x1xf32>
    %gt3A = arith.constant 0.000000e+00 : f32
    %gt3A_2 = vector.broadcast %gt3A : f32 to vector<1000x1xf32>
    %gt3A_3 = arith.cmpf ogt, %get3A_1, %gt3A_2 : vector<1000x1xf32>
    %max3A = arith.constant 1.000000e+00 : f32
    %max3A_4 = vector.broadcast %max3A : f32 to vector<1000x1xf32>
    %max3A_5 = arith.maximumf %get3A_1, %max3A_4 : vector<1000x1xf32>
    %rsqrt3A = math.rsqrt %max3A_5 : vector<1000x1xf32>
    %jit3A = arith.constant 0.000000e+00 : f32
    %broadcast_in_dim3A = vector.broadcast %jit3A : f32 to vector<1000x1xf32>
    %select_n3A = arith.select %gt3A_3, %rsqrt3A, %broadcast_in_dim3A : vector<1000x1xi1>, vector<1000x1xf32>
    %get3A_6 = arith.constant 0 : index
    %get3A_7 = arith.constant 0 : index
    %get3A_8 = arith.constant 0 : index
    %get3A_9 = vector.load %arg1[%get3A_6, %get3A_7, %get3A_8] : memref<2x1000x128xf32, #tpu.memory_space<vmem>>, vector<1x1000x128xf32>
    %get3A_10 = vector.shape_cast %get3A_9 : vector<1x1000x128xf32> to vector<1000x128xf32>
    %get3A_11 = arith.constant 1 : index
    %get3A_12 = arith.constant 0 : index
    %get3A_13 = arith.constant 0 : index
    %get3A_14 = vector.load %arg1[%get3A_11, %get3A_12, %get3A_13] : memref<2x1000x128xf32, #tpu.memory_space<vmem>>, vector<1x1000x128xf32>
    %get3A_15 = vector.shape_cast %get3A_14 : vector<1x1000x128xf32> to vector<1000x128xf32>
    %concatenate3A = tpu.concatenate %get3A_10, %get3A_15 in 1 : vector<1000x128xf32>, vector<1000x128xf32> -> vector<1000x256xf32>
    %mul3A = vector.broadcast %select_n3A : vector<1000x1xf32> to vector<1000x256xf32>
    %mul3A_16 = arith.mulf %concatenate3A, %mul3A : vector<1000x256xf32>
    %get3A_17 = arith.constant 0 : index
    %get3A_18 = arith.constant 0 : index
    %get3A_19 = vector.load %arg3[%get3A_17, %get3A_18] : memref<1x256xf32, #tpu.memory_space<vmem>>, vector<1x256xf32>
    %add3A = vector.broadcast %get3A_19 : vector<1x256xf32> to vector<1000x256xf32>
    %add3A_20 = arith.addf %mul3A_16, %add3A : vector<1000x256xf32>
    %swap3A = arith.constant 0 : index
    %swap3A_21 = arith.constant 0 : index
    %swap3A_22 = vector.load %arg4[%swap3A, %swap3A_21] : memref<1000x256xf32, #tpu.memory_space<vmem>>, vector<1000x256xf32>
    tpu.vector_store %arg4[%swap3A, %swap3A_21], %add3A_20 {strides = array<i32>} : memref<1000x256xf32, #tpu.memory_space<vmem>>, vector<1000x256xf32>,
    return
  }
  func.func @transform_0(%arg0: i32) -> (i32, i32, i32) {
    %c0_i32 = arith.constant 0 : i32
    %c0_i32_0 = arith.constant 0 : i32
    %c0_i32_1 = arith.constant 0 : i32
    return %c0_i32, %arg0, %c0_i32_0 : i32, i32, i32
  }
  func.func @transform_1(%arg0: i32) -> (i32, i32) {
    %c0_i32 = arith.constant 0 : i32
    %c0_i32_0 = arith.constant 0 : i32
    return %arg0, %c0_i32 : i32, i32
  }
  func.func @transform_2(%arg0: i32) -> (i32, i32) {
    %c0_i32 = arith.constant 0 : i32
    %c0_i32_0 = arith.constant 0 : i32
    %c0_i32_1 = arith.constant 0 : i32
    return %c0_i32, %c0_i32_0 : i32, i32
  }
  func.func @transform_3(%arg0: i32) -> (i32, i32) {
    %c0_i32 = arith.constant 0 : i32
    %c0_i32_0 = arith.constant 0 : i32
    return %arg0, %c0_i32 : i32, i32
  }
}

</mosaic_0001>

<sc_bundles>
// kernel: kernel.11.cloned.1.call-start
scs
__scs_entry_jumppad:
0x0: {  	(pc) =	sbr.rel $0x88, $3  }
0x1: {  	(tag) =	ssettag $0x0;
	lr =	simm.s32 $0x1  }
0x2: {  	[smem:$0x3F9B] =	sst lr;
	_ =	strace $0xD0000000  }
0x3: {  	_ = 	snop  }
0x4: {  	_ = 	snop  }
0x5: {  	_ = 	snop  }
0x6: {  	_ = 	snop  }
0x7: {  	_ = 	snop  }
__scs_overlays_trampoline_lowered:
0x8: {  	[smem:$0x3FAA] =	sst s0  }
0x9: {  	[smem:$0x3FAB] =	sst s1  }
0xa: {  	[smem:$0x3FAC] =	sst s2  }
0xb: {  	[smem:$0x3FAD] =	sst s3  }
0xc: {  	[smem:$0x3FAE] =	sst s4  }
0xd: {  	[smem:$0x3FAF] =	sst s5  }
0xe: {  	[smem:$0x3FB0] =	sst s6  }
0xf: {  	[smem:$0x3FB1] =	sst s7  }
0x10: {  	[smem:$0x3FB2] =	sst s8  }
0x11: {  	[smem:$0x3FB3] =	sst s9;
	s0 =	simm.s32 @!p0 $0x0  }
0x12: {  	s1 =	sld [smem:$0x3F99];
	s0 =	simm.s32 @p0 $0x1  }
0x13: {  	[smem:$0x3FB4] =	sst s0;
	s0 =	simm.s32 @!p1 $0x0  }
0x14: {  	s2 =	sld [smem:$0x3F98];
	s0 =	simm.s32 @p1 $0x1  }
0x15: {  	[smem:$0x3FB5] =	sst s0;
	s0 =	simm.s32 @!p2 $0x0  }
0x16: {  	s3 =	sld [smem:$0x3FDB];
	s0 =	simm.s32 @p2 $0x1  }
0x17: {  	s4 =	simm.s32 $0x1BF5;
	[smem:$0x3FB7] =	sst s0  }
0x18: {  	s0 =	sld [smem:$0x3F9A];
	_ =	swait.ge [sflag:s4], $0x0  }
0x19: {  	s7 =	sld [smem:$0x3F9B]  }
0x1a: {  	s8 =	sadd.s32 $0xFFFFE003, lr  }
0x1b: {  	s9 =	sadd.s32 $0xFFFFFEF7, lr;
	s5 =	simm.s32 $0xFFFFFFFF;
	p2 =	slt.u32 s8, $0xFFFFF086  }
0x1c: {  	p1 =	slt.u32 s9, $0xF7A;
	s5 =	simm.s32 @!p2 $0x0  }
0x1d: {  	s5 =	simm.s32 @p1 $0x1;
	p0 =	seq.s32 s7, s2  }
0x1e: {  	s7 =	smul.u32 @!p0 $0xF7A, s2;
	p2 =	seq.s32 @!p0 s5, $0x0  }
0x1f: {  	s9 =	smul.u32 $0xF7A, s1;
	s8 =	simm.s32 @!p0 $0x1BF5;
	p2 =	por !p2, p0  }
0x20: {  	[sflag:s8] =	ssyncset.s32 @!p0 $0xFFFFF086;
	s6 =	sadd.s32 @!p0 s3, s7;
	s7 =	simm.s32 @!p0 $0x108  }
0x21: {  	s3 =	sadd.s32 s3, s9;
	s6 =	sadd.s32 @!p0 $0x88, s6;
	s7 =	simm.s32 @p2 $0x1082  }
0x22: {  	[simem:s7], [sflag:s8] =	dma.local @!p0 [hbm:s6], $0xF7A  }
0x23: {  	s9 =	sor.u32 $0xD0000000, s2;
	s6 =	simm.s32 $0x108;
	_ =	swait.ge @!p0 [sflag:s8], $0x0  }
0x24: {  	s3 =	sadd.s32 $0x88, s3;
	s6 =	simm.s32 @!p1 $0x1082;
	[sflag:s4] =	ssyncset.s32 $0xFFFFF086  }
0x25: {  	[simem:s6], [sflag:s4] =	dma.local [hbm:s3], $0xF7A  }
0x26: {  	[smem:$0x3F9B] =	sst s1;
	(tag) =	ssettag s2;
	_ =	strace s9  }
0x27: {  	s1 =	sld [smem:$0x3FAB]  }
0x28: {  	s2 =	sld [smem:$0x3FAC]  }
0x29: {  	s4 =	sld [smem:$0x3FAE]  }
0x2a: {  	p0 =	seq.s32 s5, $0x0;
	s5 =	sld [smem:$0x3FAF]  }
0x2b: {  	s6 =	sld [smem:$0x3FB0]  }
0x2c: {  	s7 =	sld [smem:$0x3FB1]  }
0x2d: {  	s3 =	simm.s32 $0x108;
	s8 =	sld [smem:$0x3FB2]  }
0x2e: {  	s3 =	simm.s32 @!p0 $0x1082;
	s9 =	sld [smem:$0x3FB3]  }
0x2f: {  	lr =	sadd.s32 s0, s3;
	s0 =	sld [smem:$0x3FAA]  }
0x30: {  	s3 =	sld [smem:$0x3FAD]  }
0x31: {  	[smem:$0x3FB6] =	sst s10  }
0x32: {  	s10 =	sld [smem:$0x3FB4];
	_ =	sdelay $0x3  }
0x33: {  	p0 =	seq.s32 s10, $0x1;
	s10 =	sld [smem:$0x3FB6];
	_ =	sdelay $0x3  }
0x34: {  	[smem:$0x3FB6] =	sst s10  }
0x35: {  	s10 =	sld [smem:$0x3FB5];
	_ =	sdelay $0x3  }
0x36: {  	p1 =	seq.s32 s10, $0x1;
	s10 =	sld [smem:$0x3FB6];
	_ =	sdelay $0x3  }
0x37: {  	[smem:$0x3FB6] =	sst s10  }
0x38: {  	s10 =	sld [smem:$0x3FB7]  }
0x39: {  	_ = 	snop;
	(pc) =	sbr.ind lr, $3  }
0x3a: {  	_ = 	snop  }
0x3b: {  	_ = 	snop  }
0x3c: {  	p2 =	seq.s32 s10, $0x1;
	s10 =	sld [smem:$0x3FB6]  }
0x3d: {  	_ =	shalt  }
0x3e: {  	_ =	shalt  }
0x3f: {  	_ =	shalt  }
0x40: {  	_ =	shalt  }
0x41: {  	_ =	shalt  }
0x42: {  	_ =	shalt  }
0x43: {  	_ =	shalt  }
0x44: {  	_ =	shalt  }
0x45: {  	_ =	shalt  }
0x46: {  	_ =	shalt  }
0x47: {  	_ =	shalt  }
0x48: {  	_ =	shalt  }
0x49: {  	_ =	shalt  }
0x4a: {  	_ =	shalt  }
0x4b: {  	_ =	shalt  }
0x4c: {  	_ =	shalt  }
0x4d: {  	_ =	shalt  }
0x4e: {  	_ =	shalt  }
0x4f: {  	_ =	shalt  }
0x50: {  	_ =	shalt  }
0x51: {  	_ =	shalt  }
0x52: {  	_ =	shalt  }
0x53: {  	_ =	shalt  }
0x54: {  	_ =	shalt  }
0x55: {  	_ =	shalt  }
0x56: {  	_ =	shalt  }
0x57: {  	_ =	shalt  }
0x58: {  	_ =	shalt  }
0x59: {  	_ =	shalt  }
0x5a: {  	_ =	shalt  }
0x5b: {  	_ =	shalt  }
0x5c: {  	_ =	shalt  }
0x5d: {  	_ =	shalt  }
0x5e: {  	_ =	shalt  }
0x5f: {  	_ =	shalt  }
0x60: {  	_ =	shalt  }
0x61: {  	_ =	shalt  }
0x62: {  	_ =	shalt  }
0x63: {  	_ =	shalt  }
0x64: {  	_ =	shalt  }
0x65: {  	_ =	shalt  }
0x66: {  	_ =	shalt  }
0x67: {  	_ =	shalt  }
0x68: {  	_ =	shalt  }
0x69: {  	_ =	shalt  }
0x6a: {  	_ =	shalt  }
0x6b: {  	_ =	shalt  }
0x6c: {  	_ =	shalt  }
0x6d: {  	_ =	shalt  }
0x6e: {  	_ =	shalt  }
0x6f: {  	_ =	shalt  }
0x70: {  	_ =	shalt  }
0x71: {  	_ =	shalt  }
0x72: {  	_ =	shalt  }
0x73: {  	_ =	shalt  }
0x74: {  	_ =	shalt  }
0x75: {  	_ =	shalt  }
0x76: {  	_ =	shalt  }
0x77: {  	_ =	shalt  }
0x78: {  	_ =	shalt  }
0x79: {  	_ =	shalt  }
0x7a: {  	_ =	shalt  }
0x7b: {  	_ =	shalt  }
0x7c: {  	_ =	shalt  }
0x7d: {  	_ =	shalt  }
0x7e: {  	_ =	shalt  }
0x7f: {  	_ =	shalt  }
0x80: {  	_ =	shalt  }
0x81: {  	_ =	shalt  }
0x82: {  	_ =	shalt  }
0x83: {  	_ =	shalt  }
0x84: {  	_ =	shalt  }
0x85: {  	_ =	shalt  }
0x86: {  	_ =	shalt  }
0x87: {  	_ =	shalt  }
.Lfunc_end0:
.L_simem_size_0:
called_computation.1_lowered:
.L_overlay_start_0:
0x88: {  	s2 =	sld [smem:$0x3FD9]  }
0x89: {  	s3 =	sld [smem:$0x3FFE];
	_ =	sdelay $0x1  }
0x8a: {  	s1 =	srdreg.scid  }
0x8b: {  	s0 =	sand.u32 $0x1, s1  }
0x8c: {  	s17 =	sshll.u32 s0, $0xA;
	s2 =	sadd.s32 s3, s2  }
0x8d: {  	s2 =	sadd.s32 s2, s17  }
0x8e: {  	[smem:$0x3FC2] =	sst s2  }
0x8f: {  	_ = 	snop  }
0x90: {  	s2 =	sld [smem:$0x3FD0];
	(tm) =	ssettm $0x1  }
0x91: {  	s18 =	sld [smem:$0x3FFB];
	_ =	sdelay $0x3  }
0x92: {  	_ =	strace s18  }
0x93: {  	s3 =	sld [smem:$0x3FFC];
	_ =	sdelay $0x3  }
0x94: {  	_ =	strace s3  }
0x95: {  	s3 =	sld [smem:$0x3FFD];
	_ =	sdelay $0x3  }
0x96: {  	_ =	strace s3  }
0x97: {  	_ =	strace $0x8FFFFFFF  }
0x98: {  	s19 =	sld [smem:$0x3FDB];
	_ =	sdelay $0x1  }
0x99: {  	s4 =	simm.s32 $_scs_section_size  }
0x9a: {  	s5 =	simm.s32 $_size__tile_overlayer_lowered;
	s6 =	simm.s32 $_tile_overlayer_lowered  }
0x9b: {  	s22 =	simm.s32 $0x1BFF;
	s21 =	sshll.u32 s6, $0x1;
	s3 =	sadd.s32 s4, s19  }
0x9c: {  	s7 =	simm.s32 $0x0;
	s20 =	sshll.u32 s5, $0x1;
	s5 =	sadd.s32 s21, s3  }
0x9d: {  	[timem:s7], [sflag:s22] =	dma.local [hbm:s5], s20  }
0x9e: {  	_ =	swait.ge [sflag:s22], s20  }
0x9f: {  	s4 =	ssub.s32 $0x0, s20;
	[sflag:s22] =	ssyncset.done $0x0  }
0xa0: {  	[sflag:s22] =	ssyncadd.s32 s4;
	_ =	sdelay $0x1  }
0xa1: {  	s23 =	simm.s32 $0x1B8B  }
0xa2: {  	_ =	swait.ge [sflag:s23], $0x1  }
0xa3: {  	[sflag:s23] =	ssyncset.done $0x0  }
0xa4: {  	s25 =	simm.s32 $0x1B8E;
	s24 =	sld [smem:$0x3FFE];
	[sflag:s23] =	ssyncadd.s32 $0xFFFFFFFF  }
0xa5: {  	s26 =	simm.s32 $execute0_lowered;
	[smem:$0x3FD2] =	sst s25  }
0xa6: {  	s5 =	sshll.u32 s26, $0x1;
	_ =	strace $0x80000049;
	[dreg:$0x1] =	wrdreg $0xFFFFFFFF  }
0xa7: {  	s28 =	simm.s32 $_size_execute0_lowered;
	s3 =	sadd.s32 s3, s5;
	[dreg:$0x0] =	wrdreg $0x0  }
0xa8: {  	s5 =	sshll.u32 s28, $0x1;
	[dreg:$0x2] =	wrdreg s3  }
0xa9: {  	[dreg:$0x3] =	wrdreg s5  }
0xaa: {  	[dreg:$0x4] =	wrdreg $0xC0  }
0xab: {  	_ =	task [dreg:s7], $0x5FFFF  }
0xac: {  	[dreg:$0x1] =	wrdreg $0xFFFFFFFF  }
0xad: {  	[dreg:$0x0] =	wrdreg $0x60  }
0xae: {  	[dreg:$0x2] =	wrdreg s2  }
0xaf: {  	[dreg:$0x3] =	wrdreg s24  }
0xb0: {  	[dreg:$0x4] =	wrdreg $0xA2800  }
0xb1: {  	[dreg:$0x5] =	wrdreg $0x9  }
0xb2: {  	_ =	task.clear_ibuf [dreg:s7], $0x6FFFF;
	_ =	strace $0x90000049  }
0xb3: {  	s29 =	simm.s32 $0x9;
	_ =	strace $0x8000004B  }
0xb4: {  	_ =	swait.ge [sflag:s29], $0x1  }
0xb5: {  	[sflag:s29] =	ssyncadd.s32 $0xFFFFFFFF  }
0xb6: {  	_ =	strace $0x9000004B  }
0xb7: {  	_ =	sfence  }
0xb8: {  	s30 =	sld [smem:$0x0];
	_ =	sdelay $0x2  }
0xb9: {  	s31 =	sshll.u32 s1, $0xD;
	s1 =	sshrl.u32 s1, $0x2  }
0xba: {  	s3 =	sand.u32 $0x4000, s31;
	s1 =	sadd.s32 s1, s30  }
0xbb: {  	s0 =	sor.u32 s3, s0;
	s1 =	sshll.u32 s1, $0x11  }
0xbc: {  	s0 =	sor.u32 s1, s0  }
0xbd: {  	s0 =	sadd.s32 $0x8F2B, s0  }
0xbe: {  	[sflag:s0] =	ssyncadd.remote.s32 $0x1  }
0xbf: {  	_ =	sfence.sel $0xFFFF  }
0xc0: {  	[dreg:$0x0] =	wrdreg $0xFFFFFFFF;
	(pc) =	sbr.abs _section_cstart, $3  }
0xc1: {  	[dreg:$0x1] =	wrdreg $0xFFFFFFFF  }
0xc2: {  	_ =	task.clear_ibuf [dreg:s7], $0x2FFFF;
	_ =	strace $0x9FFFFFFF  }
0xc3: {  	(tm) =	ssettm $0x7FFFFFFF  }
tec
execute0_lowered:
.L_overlay_start_1:
0x0: {  	(tag) =	ssettag $0x1  }
0x1: {  	s2 =	rddreg [dreg:$0x0]  }
0x2: {  	s9 =	rddreg [dreg:$0x1]  }
0x3: {  	s3 =	rddreg [dreg:$0x2];
	s0 =	stileid.u32;
	s4 =	simm.s32 $0x0  }
0x4: {  	s5 =	srdreg.scid;
	s20 =	simm.s32 $0xA0;
	s21 =	simm.s32 $0x280  }
0x5: {  	s22 =	simm.s32 $0x140;
	s23 =	simm.s32 $0x5280;
	s24 =	simm.s32 $0x1  }
0x6: {  	s28 =	simm.s32 $0x1E0;
	s29 =	simm.s32 $0x0;
	s6 =	smul.u32 $0x13800, s0  }
0x7: {  	[smem:$0x7FF] =	sst s4;
	s8 =	sand.u32 $0x1, s5;
	s12 =	smul.u32 $0x2700, s0  }
0x8: {  	s5 =	sadd.s32 $0x10E00, s9;
	s13 =	sadd.s32 $0x5F200, s9;
	s18 =	smul.u32 $0x9C40, s0  }
0x9: {  	s19 =	sadd.s32 $0x138000, s3;
	p0 =	sne.s32 s0, $0xF;
	s25 =	smul.u32 $0x27100, s8  }
0xa: {  	s26 =	sshll.u32 s0, $0x6;
	_ =	strace $0x8000004A;
	s15 =	smul.u32 $0x138800, s8  }
0xb: {  	s10 =	sshll.u32 s8, $0x4;
	s11 =	ssub.s32 $0x2, s8;
	s16 =	smul.u32 $0x9C400, s8  }
0xc: {  	s19 =	sshrl.u32 @!p0 s19, $0x3;
	s7 =	sshrl.u32 s6, $0x3;
	s10 =	sor.u32 s0, s10  }
0xd: {  	s14 =	sshrl.u32 s11, $0x1;
	s17 =	sadd.s32 s6, s3;
	s7 =	sadd.s32 s7, s9  }
0xe: {  	s10 =	smul.u32 $0x9C40, s10;
	s14 =	ssub.s32 s11, s14;
	s9 =	sadd.s32 $0x5F000, s9  }
0xf: {  	s15 =	sshrl.u32 s15, $0x3;
	s11 =	sadd.s32 s12, s25;
	s16 =	sadd.s32 s18, s16  }
0x10: {  	s17 =	sshrl.u32 s17, $0x3;
	s18 =	simm.s32 $0x3;
	s25 =	simm.s32 $0x4  }
0x11: {  	s6 =	sadd.s32 $0x38000, s7;
	s7 =	sor.u32 $0x1C03, s26;
	s30 =	sadd.s32 s13, s15  }
0x12: {  	s11 =	sadd.s32 s13, s11;
	s31 =	sadd.s32 $0x3C0, s16;
	s13 =	smax.u32 s14, $0x1  }
0x13: {  	s16 =	sadd.s32 $0x280, s16;
	s26 =	simm.s32 $0x2;
	s10 =	sshrl.u32 s10, $0x3  }
0x14: {  	s12 =	sadd.s32 $0x27000, s30;
	s15 =	sshrl.u32 s31, $0x3;
	s8 =	sadd.s32 s5, s10  }
0x15: {  	s15 =	sadd.s32 s15, s5;
	s10 =	sadd.s32 $0x28, s8;
	s14 =	sadd.s32 $0x1360, s8  }
.LBB2_1:
0x16: {  	[spmem:s17], [sflag:s7] =	dma.local [hbm:s6], $0x2700  }
0x17: {  	_ =	swait.ge [sflag:s18], $0x2700  }
0x18: {  	[sflag:s18] =	ssyncset.done $0x0  }
0x19: {  	s30 =	simm.s32 @!p0 $0x3;
	[sflag:s18] =	ssyncadd.s32 $0xFFFFD900  }
0x1a: {  	[spmem:s19], [sflag:s7] =	dma.local @!p0 [hbm:s9], $0x100  }
0x1b: {  	_ =	swait.ge @!p0 [sflag:s30], $0x100  }
0x1c: {  	[sflag:s30] =	ssyncset.done @!p0 $0x0  }
0x1d: {  	[sflag:s30] =	ssyncadd.s32 @!p0 $0xFFFFFF00  }
0x1e: {  	[bflag:$0x0] =	sbarrier.arrive $0xFFFF  }
0x1f: {  	[tilespmem:s4], [sflag:$0x3] =	stream.linear.gather [hbm4b:s8+s4], $0x140, $0x38;
	[tilespmem:$0x1DB00] =	vst v63  }
0x20: {  	_ =	swait.ge [sflag:s18], $0x140  }
0x21: {  	[sflag:s18] =	ssyncset.done $0x0  }
0x22: {  	[sflag:s18] =	ssyncadd.s32 $0xFFFFFEC0  }
0x23: {  	[tilespmem:s21], [sflag:$0x1] =	stream.indirect.gather [hbm4b:s2+s20], $0x80, s4, s20, $0xb8;
	[tilespmem:$0x1DB00] =	vst v63  }
0x24: {  	_ = 	snop  }
0x25: {  	[tilespmem:s22], [sflag:$0x3] =	stream.linear.gather [hbm4b:s10+s4], $0x140, $0x38;
	[tilespmem:$0x1DB00] =	vst v63  }
0x26: {  	_ =	swait.ge [sflag:s18], $0x140  }
0x27: {  	[sflag:s18] =	ssyncset.done $0x0  }
0x28: {  	[sflag:s18] =	ssyncadd.s32 $0xFFFFFEC0  }
0x29: {  	[tilespmem:s23], [sflag:$0x2] =	stream.indirect.gather [hbm4b:s2+s20], $0x80, s22, s20, $0xb8;
	[tilespmem:$0x1DB00] =	vst v63  }
0x2a: {  	_ =	swait.ge [sflag:s24], $0x5000  }
0x2b: {  	[sflag:s24] =	ssyncset.done $0x0  }
0x2c: {  	[sflag:s24] =	ssyncadd.s32 $0xFFFFB000  }
0x2d: {  	[spmem:s3] =	stream.indirect.scatter.add.f32 [tilespmem:s21], [sflag:$0x4], $0x80, s20, s20, $0xb8;
	[tilespmem:$0x1DB00] =	vst v63  }
0x2e: {  	_ =	swait.ge [sflag:s25], $0x5000  }
0x2f: {  	s30 =	sshrl.u32 s16, $0x3;
	[sflag:s25] =	ssyncset.done $0x0  }
0x30: {  	s30 =	sadd.s32 s5, s30;
	[sflag:s25] =	ssyncadd.s32 $0xFFFFB000  }
0x31: {  	[tilespmem:s4], [sflag:$0x4] =	stream.linear.gather [hbm4b:s30+s4], $0x140, $0x38;
	[tilespmem:$0x1DB00] =	vst v63  }
0x32: {  	_ =	swait.ge [sflag:s25], $0x140  }
0x33: {  	[sflag:s25] =	ssyncset.done $0x0  }
0x34: {  	[sflag:s25] =	ssyncadd.s32 $0xFFFFFEC0  }
0x35: {  	[tilespmem:s21], [sflag:$0x1] =	stream.indirect.gather [hbm4b:s2+s20], $0x80, s4, s20, $0xb8;
	[tilespmem:$0x1DB00] =	vst v63  }
0x36: {  	_ =	swait.ge [sflag:s26], $0x5000  }
0x37: {  	[sflag:s26] =	ssyncset.done $0x0  }
0x38: {  	[sflag:s26] =	ssyncadd.s32 $0xFFFFB000  }
0x39: {  	[spmem:s3] =	stream.indirect.scatter.add.f32 [tilespmem:s23], [sflag:$0x4], $0x80, s28, s20, $0xb8;
	[tilespmem:$0x1DB00] =	vst v63  }
0x3a: {  	_ =	swait.ge [sflag:s25], $0x5000  }
0x3b: {  	[sflag:s25] =	ssyncset.done $0x0  }
0x3c: {  	s30 =	sadd.s32 $0x0, s15;
	[sflag:s25] =	ssyncadd.s32 $0xFFFFB000  }
0x3d: {  	[tilespmem:s22], [sflag:$0x3] =	stream.linear.gather [hbm4b:s30+s4], $0x140, $0x38;
	[tilespmem:$0x1DB00] =	vst v63  }
0x3e: {  	_ =	swait.ge [sflag:s18], $0x140  }
0x3f: {  	s31 =	smov.u32 s16;
	s30 =	simm.s32 $0x50;
	[sflag:s18] =	ssyncset.done $0x0  }
.LBB2_2:
0x40: {  	p1 =	sne.s32 s30, $0x12C0;
	[sflag:s18] =	ssyncadd.s32 $0xFFFFFEC0;
	s31 =	sadd.s32 $0x280, s31  }
0x41: {  	[tilespmem:s23], [sflag:$0x2] =	stream.indirect.gather [hbm4b:s2+s20], $0x80, s22, s20, $0xb8;
	[tilespmem:$0x1DB00] =	vst v63  }
0x42: {  	s0 =	smov.u32 s30;
	s30 =	sadd.s32 $0x50, s30;
	_ =	swait.ge [sflag:s24], $0x5000  }
0x43: {  	[sflag:s24] =	ssyncset.done $0x0  }
0x44: {  	[sflag:s24] =	ssyncadd.s32 $0xFFFFB000  }
0x45: {  	[spmem:s3] =	stream.indirect.scatter.add.f32 [tilespmem:s21], [sflag:$0x4], $0x80, s20, s20, $0xb8;
	[tilespmem:$0x1DB00] =	vst v63  }
0x46: {  	_ =	swait.ge [sflag:s25], $0x5000  }
0x47: {  	s1 =	sshrl.u32 s31, $0x3;
	[sflag:s25] =	ssyncset.done $0x0  }
0x48: {  	s1 =	sadd.s32 s5, s1;
	[sflag:s25] =	ssyncadd.s32 $0xFFFFB000  }
0x49: {  	[tilespmem:s4], [sflag:$0x4] =	stream.linear.gather [hbm4b:s1+s4], $0x140, $0x38;
	[tilespmem:$0x1DB00] =	vst v63  }
0x4a: {  	_ =	swait.ge [sflag:s25], $0x140  }
0x4b: {  	[sflag:s25] =	ssyncset.done $0x0  }
0x4c: {  	[sflag:s25] =	ssyncadd.s32 $0xFFFFFEC0  }
0x4d: {  	[tilespmem:s21], [sflag:$0x1] =	stream.indirect.gather [hbm4b:s2+s20], $0x80, s4, s20, $0xb8;
	[tilespmem:$0x1DB00] =	vst v63  }
0x4e: {  	_ =	swait.ge [sflag:s26], $0x5000  }
0x4f: {  	[sflag:s26] =	ssyncset.done $0x0  }
0x50: {  	[sflag:s26] =	ssyncadd.s32 $0xFFFFB000  }
0x51: {  	[spmem:s3] =	stream.indirect.scatter.add.f32 [tilespmem:s23], [sflag:$0x4], $0x80, s28, s20, $0xb8;
	[tilespmem:$0x1DB00] =	vst v63  }
0x52: {  	_ =	swait.ge [sflag:s25], $0x5000  }
.Ltmp0:
0x53: {  	[sflag:s25] =	ssyncset.done $0x0;
	(pc) =	sbr.rel @p1 .LBB2_2-.Ltmp0, $4  }
0x54: {  	s0 =	sadd.s32 s0, s15;
	[sflag:s25] =	ssyncadd.s32 $0xFFFFB000  }
0x55: {  	[tilespmem:s22], [sflag:$0x3] =	stream.linear.gather [hbm4b:s0+s4], $0x140, $0x38;
	[tilespmem:$0x1DB00] =	vst v63  }
0x56: {  	_ =	swait.ge [sflag:s18], $0x140  }
0x57: {  	[sflag:s18] =	ssyncset.done $0x0  }
0x58: {  	[sflag:s18] =	ssyncadd.s32 $0xFFFFFEC0  }
0x59: {  	[tilespmem:s23], [sflag:$0x2] =	stream.indirect.gather [hbm4b:s2+s20], $0x80, s22, s20, $0xb8;
	[tilespmem:$0x1DB00] =	vst v63  }
0x5a: {  	_ =	swait.ge [sflag:s24], $0x5000  }
0x5b: {  	[sflag:s24] =	ssyncset.done $0x0  }
0x5c: {  	[sflag:s24] =	ssyncadd.s32 $0xFFFFB000  }
0x5d: {  	[spmem:s3] =	stream.indirect.scatter.add.f32 [tilespmem:s21], [sflag:$0x4], $0x80, s20, s20, $0xb8;
	[tilespmem:$0x1DB00] =	vst v63  }
0x5e: {  	_ =	swait.ge [sflag:s25], $0x5000  }
0x5f: {  	[sflag:s25] =	ssyncset.done $0x0  }
0x60: {  	[sflag:s25] =	ssyncadd.s32 $0xFFFFB000  }
0x61: {  	[tilespmem:s4], [sflag:$0x4] =	stream.linear.gather [hbm4b:s14+s4], $0x140, $0x38;
	[tilespmem:$0x1DB00] =	vst v63  }
0x62: {  	_ =	swait.ge [sflag:s25], $0x140  }
0x63: {  	[sflag:s25] =	ssyncset.done $0x0  }
0x64: {  	[sflag:s25] =	ssyncadd.s32 $0xFFFFFEC0  }
0x65: {  	[tilespmem:s21], [sflag:$0x1] =	stream.indirect.gather [hbm4b:s2+s20], $0x80, s4, s20, $0xb8;
	[tilespmem:$0x1DB00] =	vst v63  }
0x66: {  	_ =	swait.ge [sflag:s26], $0x5000  }
0x67: {  	[sflag:s26] =	ssyncset.done $0x0  }
0x68: {  	[sflag:s26] =	ssyncadd.s32 $0xFFFFB000  }
0x69: {  	[spmem:s3] =	stream.indirect.scatter.add.f32 [tilespmem:s23], [sflag:$0x4], $0x80, s28, s20, $0xb8;
	[tilespmem:$0x1DB00] =	vst v63  }
0x6a: {  	_ =	swait.ge [sflag:s25], $0x5000  }
0x6b: {  	[sflag:s25] =	ssyncset.done $0x0  }
0x6c: {  	[sflag:s25] =	ssyncadd.s32 $0xFFFFB000  }
0x6d: {  	_ =	swait.ge [sflag:s24], $0x5000  }
0x6e: {  	[sflag:s24] =	ssyncset.done $0x0  }
0x6f: {  	[sflag:s24] =	ssyncadd.s32 $0xFFFFB000  }
0x70: {  	[spmem:s3] =	stream.indirect.scatter.add.f32 [tilespmem:s21], [sflag:$0x3], $0x80, s20, s20, $0xb8;
	[tilespmem:$0x1DB00] =	vst v63  }
0x71: {  	_ =	swait.ge [sflag:s18], $0x5000  }
0x72: {  	[sflag:s18] =	ssyncset.done $0x0  }
0x73: {  	[sflag:s18] =	ssyncadd.s32 $0xFFFFB000  }
0x74: {  	[bflag:$0x0] =	sbarrier.arrive $0xFFFF  }
0x75: {  	[hbm:s11], [sflag:s7] =	dma.local [spmem:s17], $0x2700  }
0x76: {  	s29 =	sadd.s32 $0x1, s29;
	_ =	swait.ge [sflag:s18], $0x2700  }
0x77: {  	p1 =	sne.s32 s29, s13;
	[sflag:s18] =	ssyncset.done $0x0  }
.Ltmp1:
0x78: {  	s0 =	simm.s32 @!p0 $0x3;
	[sflag:s18] =	ssyncadd.s32 $0xFFFFD900;
	(pc) =	sbr.rel @p1 .LBB2_1-.Ltmp1, $4  }
0x79: {  	[hbm:s12], [sflag:s7] =	dma.local @!p0 [spmem:s19], $0x100  }
0x7a: {  	_ =	swait.ge @!p0 [sflag:s0], $0x100  }
0x7b: {  	[sflag:s0] =	ssyncset.done @!p0 $0x0  }
0x7c: {  	[sflag:s0] =	ssyncadd.s32 @!p0 $0xFFFFFF00  }
0x7d: {  	_ =	sfence.sel $0x180000  }
0x7e: {  	[bflag:$0x0] =	sbarrier.arrive $0xFFFF  }
0x7f: {  	_ =	strace $0x9000004A  }
0x80: {  	s0 =	stileid.u32;
	[bflag:$0x2] =	sbarrier.arrive $0xFFFF  }
0x81: {  	p0 =	sne.s32 s0, $0x0;
	s0 =	rddreg [dreg:$0x3]  }
0x82: {  	s0 =	sadd.s32 @!p0 $0x100000, s0  }
0x83: {  	[sflag:s0] =	ssyncadd.tile.s32 @!p0 $0x1;
	_ =	shalt  }
.Lfunc_end2:
_tile_overlayer_lowered:
.L_overlay_start_2:
0x84: {  	(tag) =	ssettag $0x2  }
0x85: {  	s0 =	rddreg [dreg:$0x0];
	s2 =	stileid.u32  }
0x86: {  	s1 =	rddreg [dreg:$0x1];
	p0 =	sne.s32 s2, $0x0  }
0x87: {  	s3 =	rddreg [dreg:$0x2];
	[bflag:$0x3] =	sbarrier.arrive $0xFFFF;
	s2 =	simm.s32 @!p0 $0x1C03  }
0x88: {  	[timem:s3], [sflag:s2] =	dma.local @!p0 [hbm:s0], s1  }
0x89: {  	s0 =	simm.s32 @!p0 $0x3  }
0x8a: {  	_ =	swait.ge @!p0 [sflag:s0], s1  }
0x8b: {  	s1 =	ssub.s32 @!p0 $0x0, s1;
	[sflag:s0] =	ssyncset.done @!p0 $0x0  }
0x8c: {  	[sflag:s0] =	ssyncadd.s32 @!p0 s1  }
0x8d: {  	[bflag:$0x3] =	sbarrier.arrive $0xFFFF  }
0x8e: {  	_ =	shalt  }

// kernel: kernel.14.cloned.1.call-start
scs
__scs_entry_jumppad:
0x0: {  	(pc) =	sbr.rel $0x88, $3  }
0x1: {  	(tag) =	ssettag $0x0;
	lr =	simm.s32 $0x1  }
0x2: {  	[smem:$0x3F9B] =	sst lr;
	_ =	strace $0xD0000000  }
0x3: {  	_ = 	snop  }
0x4: {  	_ = 	snop  }
0x5: {  	_ = 	snop  }
0x6: {  	_ = 	snop  }
0x7: {  	_ = 	snop  }
__scs_overlays_trampoline_lowered:
0x8: {  	[smem:$0x3FAA] =	sst s0  }
0x9: {  	[smem:$0x3FAB] =	sst s1  }
0xa: {  	[smem:$0x3FAC] =	sst s2  }
0xb: {  	[smem:$0x3FAD] =	sst s3  }
0xc: {  	[smem:$0x3FAE] =	sst s4  }
0xd: {  	[smem:$0x3FAF] =	sst s5  }
0xe: {  	[smem:$0x3FB0] =	sst s6  }
0xf: {  	[smem:$0x3FB1] =	sst s7  }
0x10: {  	[smem:$0x3FB2] =	sst s8  }
0x11: {  	[smem:$0x3FB3] =	sst s9;
	s0 =	simm.s32 @!p0 $0x0  }
0x12: {  	s1 =	sld [smem:$0x3F99];
	s0 =	simm.s32 @p0 $0x1  }
0x13: {  	[smem:$0x3FB4] =	sst s0;
	s0 =	simm.s32 @!p1 $0x0  }
0x14: {  	s2 =	sld [smem:$0x3F98];
	s0 =	simm.s32 @p1 $0x1  }
0x15: {  	[smem:$0x3FB5] =	sst s0;
	s0 =	simm.s32 @!p2 $0x0  }
0x16: {  	s3 =	sld [smem:$0x3FDB];
	s0 =	simm.s32 @p2 $0x1  }
0x17: {  	s4 =	simm.s32 $0x1BF5;
	[smem:$0x3FB7] =	sst s0  }
0x18: {  	s0 =	sld [smem:$0x3F9A];
	_ =	swait.ge [sflag:s4], $0x0  }
0x19: {  	s7 =	sld [smem:$0x3F9B]  }
0x1a: {  	s8 =	sadd.s32 $0xFFFFE003, lr  }
0x1b: {  	s9 =	sadd.s32 $0xFFFFFEF7, lr;
	s5 =	simm.s32 $0xFFFFFFFF;
	p2 =	slt.u32 s8, $0xFFFFF086  }
0x1c: {  	p1 =	slt.u32 s9, $0xF7A;
	s5 =	simm.s32 @!p2 $0x0  }
0x1d: {  	s5 =	simm.s32 @p1 $0x1;
	p0 =	seq.s32 s7, s2  }
0x1e: {  	s7 =	smul.u32 @!p0 $0xF7A, s2;
	p2 =	seq.s32 @!p0 s5, $0x0  }
0x1f: {  	s9 =	smul.u32 $0xF7A, s1;
	s8 =	simm.s32 @!p0 $0x1BF5;
	p2 =	por !p2, p0  }
0x20: {  	[sflag:s8] =	ssyncset.s32 @!p0 $0xFFFFF086;
	s6 =	sadd.s32 @!p0 s3, s7;
	s7 =	simm.s32 @!p0 $0x108  }
0x21: {  	s3 =	sadd.s32 s3, s9;
	s6 =	sadd.s32 @!p0 $0x88, s6;
	s7 =	simm.s32 @p2 $0x1082  }
0x22: {  	[simem:s7], [sflag:s8] =	dma.local @!p0 [hbm:s6], $0xF7A  }
0x23: {  	s9 =	sor.u32 $0xD0000000, s2;
	s6 =	simm.s32 $0x108;
	_ =	swait.ge @!p0 [sflag:s8], $0x0  }
0x24: {  	s3 =	sadd.s32 $0x88, s3;
	s6 =	simm.s32 @!p1 $0x1082;
	[sflag:s4] =	ssyncset.s32 $0xFFFFF086  }
0x25: {  	[simem:s6], [sflag:s4] =	dma.local [hbm:s3], $0xF7A  }
0x26: {  	[smem:$0x3F9B] =	sst s1;
	(tag) =	ssettag s2;
	_ =	strace s9  }
0x27: {  	s1 =	sld [smem:$0x3FAB]  }
0x28: {  	s2 =	sld [smem:$0x3FAC]  }
0x29: {  	s4 =	sld [smem:$0x3FAE]  }
0x2a: {  	p0 =	seq.s32 s5, $0x0;
	s5 =	sld [smem:$0x3FAF]  }
0x2b: {  	s6 =	sld [smem:$0x3FB0]  }
0x2c: {  	s7 =	sld [smem:$0x3FB1]  }
0x2d: {  	s3 =	simm.s32 $0x108;
	s8 =	sld [smem:$0x3FB2]  }
0x2e: {  	s3 =	simm.s32 @!p0 $0x1082;
	s9 =	sld [smem:$0x3FB3]  }
0x2f: {  	lr =	sadd.s32 s0, s3;
	s0 =	sld [smem:$0x3FAA]  }
0x30: {  	s3 =	sld [smem:$0x3FAD]  }
0x31: {  	[smem:$0x3FB6] =	sst s10  }
0x32: {  	s10 =	sld [smem:$0x3FB4];
	_ =	sdelay $0x3  }
0x33: {  	p0 =	seq.s32 s10, $0x1;
	s10 =	sld [smem:$0x3FB6];
	_ =	sdelay $0x3  }
0x34: {  	[smem:$0x3FB6] =	sst s10  }
0x35: {  	s10 =	sld [smem:$0x3FB5];
	_ =	sdelay $0x3  }
0x36: {  	p1 =	seq.s32 s10, $0x1;
	s10 =	sld [smem:$0x3FB6];
	_ =	sdelay $0x3  }
0x37: {  	[smem:$0x3FB6] =	sst s10  }
0x38: {  	s10 =	sld [smem:$0x3FB7]  }
0x39: {  	_ = 	snop;
	(pc) =	sbr.ind lr, $3  }
0x3a: {  	_ = 	snop  }
0x3b: {  	_ = 	snop  }
0x3c: {  	p2 =	seq.s32 s10, $0x1;
	s10 =	sld [smem:$0x3FB6]  }
0x3d: {  	_ =	shalt  }
0x3e: {  	_ =	shalt  }
0x3f: {  	_ =	shalt  }
0x40: {  	_ =	shalt  }
0x41: {  	_ =	shalt  }
0x42: {  	_ =	shalt  }
0x43: {  	_ =	shalt  }
0x44: {  	_ =	shalt  }
0x45: {  	_ =	shalt  }
0x46: {  	_ =	shalt  }
0x47: {  	_ =	shalt  }
0x48: {  	_ =	shalt  }
0x49: {  	_ =	shalt  }
0x4a: {  	_ =	shalt  }
0x4b: {  	_ =	shalt  }
0x4c: {  	_ =	shalt  }
0x4d: {  	_ =	shalt  }
0x4e: {  	_ =	shalt  }
0x4f: {  	_ =	shalt  }
0x50: {  	_ =	shalt  }
0x51: {  	_ =	shalt  }
0x52: {  	_ =	shalt  }
0x53: {  	_ =	shalt  }
0x54: {  	_ =	shalt  }
0x55: {  	_ =	shalt  }
0x56: {  	_ =	shalt  }
0x57: {  	_ =	shalt  }
0x58: {  	_ =	shalt  }
0x59: {  	_ =	shalt  }
0x5a: {  	_ =	shalt  }
0x5b: {  	_ =	shalt  }
0x5c: {  	_ =	shalt  }
0x5d: {  	_ =	shalt  }
0x5e: {  	_ =	shalt  }
0x5f: {  	_ =	shalt  }
0x60: {  	_ =	shalt  }
0x61: {  	_ =	shalt  }
0x62: {  	_ =	shalt  }
0x63: {  	_ =	shalt  }
0x64: {  	_ =	shalt  }
0x65: {  	_ =	shalt  }
0x66: {  	_ =	shalt  }
0x67: {  	_ =	shalt  }
0x68: {  	_ =	shalt  }
0x69: {  	_ =	shalt  }
0x6a: {  	_ =	shalt  }
0x6b: {  	_ =	shalt  }
0x6c: {  	_ =	shalt  }
0x6d: {  	_ =	shalt  }
0x6e: {  	_ =	shalt  }
0x6f: {  	_ =	shalt  }
0x70: {  	_ =	shalt  }
0x71: {  	_ =	shalt  }
0x72: {  	_ =	shalt  }
0x73: {  	_ =	shalt  }
0x74: {  	_ =	shalt  }
0x75: {  	_ =	shalt  }
0x76: {  	_ =	shalt  }
0x77: {  	_ =	shalt  }
0x78: {  	_ =	shalt  }
0x79: {  	_ =	shalt  }
0x7a: {  	_ =	shalt  }
0x7b: {  	_ =	shalt  }
0x7c: {  	_ =	shalt  }
0x7d: {  	_ =	shalt  }
0x7e: {  	_ =	shalt  }
0x7f: {  	_ =	shalt  }
0x80: {  	_ =	shalt  }
0x81: {  	_ =	shalt  }
0x82: {  	_ =	shalt  }
0x83: {  	_ =	shalt  }
0x84: {  	_ =	shalt  }
0x85: {  	_ =	shalt  }
0x86: {  	_ =	shalt  }
0x87: {  	_ =	shalt  }
.Lfunc_end0:
.L_simem_size_0:
called_computation.2_lowered:
.L_overlay_start_0:
0x88: {  	s2 =	sld [smem:$0x3FD9]  }
0x89: {  	s3 =	sld [smem:$0x3FFE];
	_ =	sdelay $0x1  }
0x8a: {  	s1 =	srdreg.scid  }
0x8b: {  	s0 =	sand.u32 $0x1, s1  }
0x8c: {  	s17 =	sshll.u32 s0, $0xA;
	s2 =	sadd.s32 s3, s2  }
0x8d: {  	s2 =	sadd.s32 s2, s17  }
0x8e: {  	[smem:$0x3FC2] =	sst s2  }
0x8f: {  	_ = 	snop  }
0x90: {  	s2 =	sld [smem:$0x3FD0];
	(tm) =	ssettm $0x1  }
0x91: {  	s18 =	sld [smem:$0x3FFB];
	_ =	sdelay $0x3  }
0x92: {  	_ =	strace s18  }
0x93: {  	s3 =	sld [smem:$0x3FFC];
	_ =	sdelay $0x3  }
0x94: {  	_ =	strace s3  }
0x95: {  	s3 =	sld [smem:$0x3FFD];
	_ =	sdelay $0x3  }
0x96: {  	_ =	strace s3  }
0x97: {  	_ =	strace $0x8FFFFFFF  }
0x98: {  	s19 =	sld [smem:$0x3FDB];
	_ =	sdelay $0x1  }
0x99: {  	s4 =	simm.s32 $_scs_section_size  }
0x9a: {  	s5 =	simm.s32 $_size__tile_overlayer_lowered;
	s6 =	simm.s32 $_tile_overlayer_lowered  }
0x9b: {  	s22 =	simm.s32 $0x1BFF;
	s21 =	sshll.u32 s6, $0x1;
	s3 =	sadd.s32 s4, s19  }
0x9c: {  	s7 =	simm.s32 $0x0;
	s20 =	sshll.u32 s5, $0x1;
	s5 =	sadd.s32 s21, s3  }
0x9d: {  	[timem:s7], [sflag:s22] =	dma.local [hbm:s5], s20  }
0x9e: {  	_ =	swait.ge [sflag:s22], s20  }
0x9f: {  	s4 =	ssub.s32 $0x0, s20;
	[sflag:s22] =	ssyncset.done $0x0  }
0xa0: {  	[sflag:s22] =	ssyncadd.s32 s4;
	_ =	sdelay $0x1  }
0xa1: {  	s23 =	simm.s32 $0x1B8B  }
0xa2: {  	_ =	swait.ge [sflag:s23], $0x1  }
0xa3: {  	[sflag:s23] =	ssyncset.done $0x0  }
0xa4: {  	s25 =	simm.s32 $0x1B8E;
	s24 =	sld [smem:$0x3FFE];
	[sflag:s23] =	ssyncadd.s32 $0xFFFFFFFF  }
0xa5: {  	s26 =	simm.s32 $execute0_lowered;
	[smem:$0x3FD2] =	sst s25  }
0xa6: {  	s5 =	sshll.u32 s26, $0x1;
	_ =	strace $0x8000004C;
	[dreg:$0x1] =	wrdreg $0xFFFFFFFF  }
0xa7: {  	s28 =	simm.s32 $_size_execute0_lowered;
	s3 =	sadd.s32 s3, s5;
	[dreg:$0x0] =	wrdreg $0x0  }
0xa8: {  	s5 =	sshll.u32 s28, $0x1;
	[dreg:$0x2] =	wrdreg s3  }
0xa9: {  	[dreg:$0x3] =	wrdreg s5  }
0xaa: {  	[dreg:$0x4] =	wrdreg $0xC0  }
0xab: {  	_ =	task [dreg:s7], $0x5FFFF  }
0xac: {  	[dreg:$0x1] =	wrdreg $0xFFFFFFFF  }
0xad: {  	[dreg:$0x0] =	wrdreg $0x60  }
0xae: {  	[dreg:$0x2] =	wrdreg s2  }
0xaf: {  	[dreg:$0x3] =	wrdreg s24  }
0xb0: {  	[dreg:$0x4] =	wrdreg $0xA2800  }
0xb1: {  	[dreg:$0x5] =	wrdreg $0x9  }
0xb2: {  	_ =	task.clear_ibuf [dreg:s7], $0x6FFFF;
	_ =	strace $0x9000004C  }
0xb3: {  	s29 =	simm.s32 $0x9;
	_ =	strace $0x8000004E  }
0xb4: {  	_ =	swait.ge [sflag:s29], $0x1  }
0xb5: {  	[sflag:s29] =	ssyncadd.s32 $0xFFFFFFFF  }
0xb6: {  	_ =	strace $0x9000004E  }
0xb7: {  	_ =	sfence  }
0xb8: {  	s30 =	sld [smem:$0x0];
	_ =	sdelay $0x2  }
0xb9: {  	s31 =	sshll.u32 s1, $0xD;
	s1 =	sshrl.u32 s1, $0x2  }
0xba: {  	s3 =	sand.u32 $0x4000, s31;
	s1 =	sadd.s32 s1, s30  }
0xbb: {  	s0 =	sor.u32 s3, s0;
	s1 =	sshll.u32 s1, $0x11  }
0xbc: {  	s0 =	sor.u32 s1, s0  }
0xbd: {  	s0 =	sadd.s32 $0x8F2B, s0  }
0xbe: {  	[sflag:s0] =	ssyncadd.remote.s32 $0x1  }
0xbf: {  	_ =	sfence.sel $0xFFFF  }
0xc0: {  	[dreg:$0x0] =	wrdreg $0xFFFFFFFF;
	(pc) =	sbr.abs _section_cstart, $3  }
0xc1: {  	[dreg:$0x1] =	wrdreg $0xFFFFFFFF  }
0xc2: {  	_ =	task.clear_ibuf [dreg:s7], $0x2FFFF;
	_ =	strace $0x9FFFFFFF  }
0xc3: {  	(tm) =	ssettm $0x7FFFFFFF  }
tec
execute0_lowered:
.L_overlay_start_1:
0x0: {  	(tag) =	ssettag $0x1  }
0x1: {  	s2 =	rddreg [dreg:$0x0]  }
0x2: {  	s9 =	rddreg [dreg:$0x1]  }
0x3: {  	s3 =	rddreg [dreg:$0x2];
	s0 =	stileid.u32;
	s4 =	simm.s32 $0x0  }
0x4: {  	s5 =	srdreg.scid;
	s20 =	simm.s32 $0xA0;
	s21 =	simm.s32 $0x280  }
0x5: {  	s22 =	simm.s32 $0x140;
	s23 =	simm.s32 $0x5280;
	s24 =	simm.s32 $0x1  }
0x6: {  	s28 =	simm.s32 $0x1E0;
	s29 =	simm.s32 $0x0;
	s6 =	smul.u32 $0x13800, s0  }
0x7: {  	[smem:$0x7FF] =	sst s4;
	s8 =	sand.u32 $0x1, s5;
	s12 =	smul.u32 $0x2700, s0  }
0x8: {  	s5 =	sadd.s32 $0x10E00, s9;
	s13 =	sadd.s32 $0x5F200, s9;
	s18 =	smul.u32 $0x9C40, s0  }
0x9: {  	s19 =	sadd.s32 $0x138000, s3;
	p0 =	sne.s32 s0, $0xF;
	s25 =	smul.u32 $0x27100, s8  }
0xa: {  	s26 =	sshll.u32 s0, $0x6;
	_ =	strace $0x8000004D;
	s15 =	smul.u32 $0x138800, s8  }
0xb: {  	s10 =	sshll.u32 s8, $0x4;
	s11 =	ssub.s32 $0x2, s8;
	s16 =	smul.u32 $0x9C400, s8  }
0xc: {  	s19 =	sshrl.u32 @!p0 s19, $0x3;
	s7 =	sshrl.u32 s6, $0x3;
	s10 =	sor.u32 s0, s10  }
0xd: {  	s14 =	sshrl.u32 s11, $0x1;
	s17 =	sadd.s32 s6, s3;
	s7 =	sadd.s32 s7, s9  }
0xe: {  	s10 =	smul.u32 $0x9C40, s10;
	s14 =	ssub.s32 s11, s14;
	s9 =	sadd.s32 $0x5F000, s9  }
0xf: {  	s15 =	sshrl.u32 s15, $0x3;
	s11 =	sadd.s32 s12, s25;
	s16 =	sadd.s32 s18, s16  }
0x10: {  	s17 =	sshrl.u32 s17, $0x3;
	s18 =	simm.s32 $0x3;
	s25 =	simm.s32 $0x4  }
0x11: {  	s6 =	sadd.s32 $0x38000, s7;
	s7 =	sor.u32 $0x1C03, s26;
	s30 =	sadd.s32 s13, s15  }
0x12: {  	s11 =	sadd.s32 s13, s11;
	s31 =	sadd.s32 $0x3C0, s16;
	s13 =	smax.u32 s14, $0x1  }
0x13: {  	s16 =	sadd.s32 $0x280, s16;
	s26 =	simm.s32 $0x2;
	s10 =	sshrl.u32 s10, $0x3  }
0x14: {  	s12 =	sadd.s32 $0x27000, s30;
	s15 =	sshrl.u32 s31, $0x3;
	s8 =	sadd.s32 s5, s10  }
0x15: {  	s15 =	sadd.s32 s15, s5;
	s10 =	sadd.s32 $0x28, s8;
	s14 =	sadd.s32 $0x1360, s8  }
.LBB2_1:
0x16: {  	[spmem:s17], [sflag:s7] =	dma.local [hbm:s6], $0x2700  }
0x17: {  	_ =	swait.ge [sflag:s18], $0x2700  }
0x18: {  	[sflag:s18] =	ssyncset.done $0x0  }
0x19: {  	s30 =	simm.s32 @!p0 $0x3;
	[sflag:s18] =	ssyncadd.s32 $0xFFFFD900  }
0x1a: {  	[spmem:s19], [sflag:s7] =	dma.local @!p0 [hbm:s9], $0x100  }
0x1b: {  	_ =	swait.ge @!p0 [sflag:s30], $0x100  }
0x1c: {  	[sflag:s30] =	ssyncset.done @!p0 $0x0  }
0x1d: {  	[sflag:s30] =	ssyncadd.s32 @!p0 $0xFFFFFF00  }
0x1e: {  	[bflag:$0x0] =	sbarrier.arrive $0xFFFF  }
0x1f: {  	[tilespmem:s4], [sflag:$0x3] =	stream.linear.gather [hbm4b:s8+s4], $0x140, $0x38;
	[tilespmem:$0x1DB00] =	vst v63  }
0x20: {  	_ =	swait.ge [sflag:s18], $0x140  }
0x21: {  	[sflag:s18] =	ssyncset.done $0x0  }
0x22: {  	[sflag:s18] =	ssyncadd.s32 $0xFFFFFEC0  }
0x23: {  	[tilespmem:s21], [sflag:$0x1] =	stream.indirect.gather [hbm4b:s2+s20], $0x80, s4, s20, $0xb8;
	[tilespmem:$0x1DB00] =	vst v63  }
0x24: {  	_ = 	snop  }
0x25: {  	[tilespmem:s22], [sflag:$0x3] =	stream.linear.gather [hbm4b:s10+s4], $0x140, $0x38;
	[tilespmem:$0x1DB00] =	vst v63  }
0x26: {  	_ =	swait.ge [sflag:s18], $0x140  }
0x27: {  	[sflag:s18] =	ssyncset.done $0x0  }
0x28: {  	[sflag:s18] =	ssyncadd.s32 $0xFFFFFEC0  }
0x29: {  	[tilespmem:s23], [sflag:$0x2] =	stream.indirect.gather [hbm4b:s2+s20], $0x80, s22, s20, $0xb8;
	[tilespmem:$0x1DB00] =	vst v63  }
0x2a: {  	_ =	swait.ge [sflag:s24], $0x5000  }
0x2b: {  	[sflag:s24] =	ssyncset.done $0x0  }
0x2c: {  	[sflag:s24] =	ssyncadd.s32 $0xFFFFB000  }
0x2d: {  	[spmem:s3] =	stream.indirect.scatter.add.f32 [tilespmem:s21], [sflag:$0x4], $0x80, s20, s20, $0xb8;
	[tilespmem:$0x1DB00] =	vst v63  }
0x2e: {  	_ =	swait.ge [sflag:s25], $0x5000  }
0x2f: {  	s30 =	sshrl.u32 s16, $0x3;
	[sflag:s25] =	ssyncset.done $0x0  }
0x30: {  	s30 =	sadd.s32 s5, s30;
	[sflag:s25] =	ssyncadd.s32 $0xFFFFB000  }
0x31: {  	[tilespmem:s4], [sflag:$0x4] =	stream.linear.gather [hbm4b:s30+s4], $0x140, $0x38;
	[tilespmem:$0x1DB00] =	vst v63  }
0x32: {  	_ =	swait.ge [sflag:s25], $0x140  }
0x33: {  	[sflag:s25] =	ssyncset.done $0x0  }
0x34: {  	[sflag:s25] =	ssyncadd.s32 $0xFFFFFEC0  }
0x35: {  	[tilespmem:s21], [sflag:$0x1] =	stream.indirect.gather [hbm4b:s2+s20], $0x80, s4, s20, $0xb8;
	[tilespmem:$0x1DB00] =	vst v63  }
0x36: {  	_ =	swait.ge [sflag:s26], $0x5000  }
0x37: {  	[sflag:s26] =	ssyncset.done $0x0  }
0x38: {  	[sflag:s26] =	ssyncadd.s32 $0xFFFFB000  }
0x39: {  	[spmem:s3] =	stream.indirect.scatter.add.f32 [tilespmem:s23], [sflag:$0x4], $0x80, s28, s20, $0xb8;
	[tilespmem:$0x1DB00] =	vst v63  }
0x3a: {  	_ =	swait.ge [sflag:s25], $0x5000  }
0x3b: {  	[sflag:s25] =	ssyncset.done $0x0  }
0x3c: {  	s30 =	sadd.s32 $0x0, s15;
	[sflag:s25] =	ssyncadd.s32 $0xFFFFB000  }
0x3d: {  	[tilespmem:s22], [sflag:$0x3] =	stream.linear.gather [hbm4b:s30+s4], $0x140, $0x38;
	[tilespmem:$0x1DB00] =	vst v63  }
0x3e: {  	_ =	swait.ge [sflag:s18], $0x140  }
0x3f: {  	s31 =	smov.u32 s16;
	s30 =	simm.s32 $0x50;
	[sflag:s18] =	ssyncset.done $0x0  }
.LBB2_2:
0x40: {  	p1 =	sne.s32 s30, $0x12C0;
	[sflag:s18] =	ssyncadd.s32 $0xFFFFFEC0;
	s31 =	sadd.s32 $0x280, s31  }
0x41: {  	[tilespmem:s23], [sflag:$0x2] =	stream.indirect.gather [hbm4b:s2+s20], $0x80, s22, s20, $0xb8;
	[tilespmem:$0x1DB00] =	vst v63  }
0x42: {  	s0 =	smov.u32 s30;
	s30 =	sadd.s32 $0x50, s30;
	_ =	swait.ge [sflag:s24], $0x5000  }
0x43: {  	[sflag:s24] =	ssyncset.done $0x0  }
0x44: {  	[sflag:s24] =	ssyncadd.s32 $0xFFFFB000  }
0x45: {  	[spmem:s3] =	stream.indirect.scatter.add.f32 [tilespmem:s21], [sflag:$0x4], $0x80, s20, s20, $0xb8;
	[tilespmem:$0x1DB00] =	vst v63  }
0x46: {  	_ =	swait.ge [sflag:s25], $0x5000  }
0x47: {  	s1 =	sshrl.u32 s31, $0x3;
	[sflag:s25] =	ssyncset.done $0x0  }
0x48: {  	s1 =	sadd.s32 s5, s1;
	[sflag:s25] =	ssyncadd.s32 $0xFFFFB000  }
0x49: {  	[tilespmem:s4], [sflag:$0x4] =	stream.linear.gather [hbm4b:s1+s4], $0x140, $0x38;
	[tilespmem:$0x1DB00] =	vst v63  }
0x4a: {  	_ =	swait.ge [sflag:s25], $0x140  }
0x4b: {  	[sflag:s25] =	ssyncset.done $0x0  }
0x4c: {  	[sflag:s25] =	ssyncadd.s32 $0xFFFFFEC0  }
0x4d: {  	[tilespmem:s21], [sflag:$0x1] =	stream.indirect.gather [hbm4b:s2+s20], $0x80, s4, s20, $0xb8;
	[tilespmem:$0x1DB00] =	vst v63  }
0x4e: {  	_ =	swait.ge [sflag:s26], $0x5000  }
0x4f: {  	[sflag:s26] =	ssyncset.done $0x0  }
0x50: {  	[sflag:s26] =	ssyncadd.s32 $0xFFFFB000  }
0x51: {  	[spmem:s3] =	stream.indirect.scatter.add.f32 [tilespmem:s23], [sflag:$0x4], $0x80, s28, s20, $0xb8;
	[tilespmem:$0x1DB00] =	vst v63  }
0x52: {  	_ =	swait.ge [sflag:s25], $0x5000  }
.Ltmp0:
0x53: {  	[sflag:s25] =	ssyncset.done $0x0;
	(pc) =	sbr.rel @p1 .LBB2_2-.Ltmp0, $4  }
0x54: {  	s0 =	sadd.s32 s0, s15;
	[sflag:s25] =	ssyncadd.s32 $0xFFFFB000  }
0x55: {  	[tilespmem:s22], [sflag:$0x3] =	stream.linear.gather [hbm4b:s0+s4], $0x140, $0x38;
	[tilespmem:$0x1DB00] =	vst v63  }
0x56: {  	_ =	swait.ge [sflag:s18], $0x140  }
0x57: {  	[sflag:s18] =	ssyncset.done $0x0  }
0x58: {  	[sflag:s18] =	ssyncadd.s32 $0xFFFFFEC0  }
0x59: {  	[tilespmem:s23], [sflag:$0x2] =	stream.indirect.gather [hbm4b:s2+s20], $0x80, s22, s20, $0xb8;
	[tilespmem:$0x1DB00] =	vst v63  }
0x5a: {  	_ =	swait.ge [sflag:s24], $0x5000  }
0x5b: {  	[sflag:s24] =	ssyncset.done $0x0  }
0x5c: {  	[sflag:s24] =	ssyncadd.s32 $0xFFFFB000  }
0x5d: {  	[spmem:s3] =	stream.indirect.scatter.add.f32 [tilespmem:s21], [sflag:$0x4], $0x80, s20, s20, $0xb8;
	[tilespmem:$0x1DB00] =	vst v63  }
0x5e: {  	_ =	swait.ge [sflag:s25], $0x5000  }
0x5f: {  	[sflag:s25] =	ssyncset.done $0x0  }
0x60: {  	[sflag:s25] =	ssyncadd.s32 $0xFFFFB000  }
0x61: {  	[tilespmem:s4], [sflag:$0x4] =	stream.linear.gather [hbm4b:s14+s4], $0x140, $0x38;
	[tilespmem:$0x1DB00] =	vst v63  }
0x62: {  	_ =	swait.ge [sflag:s25], $0x140  }
0x63: {  	[sflag:s25] =	ssyncset.done $0x0  }
0x64: {  	[sflag:s25] =	ssyncadd.s32 $0xFFFFFEC0  }
0x65: {  	[tilespmem:s21], [sflag:$0x1] =	stream.indirect.gather [hbm4b:s2+s20], $0x80, s4, s20, $0xb8;
	[tilespmem:$0x1DB00] =	vst v63  }
0x66: {  	_ =	swait.ge [sflag:s26], $0x5000  }
0x67: {  	[sflag:s26] =	ssyncset.done $0x0  }
0x68: {  	[sflag:s26] =	ssyncadd.s32 $0xFFFFB000  }
0x69: {  	[spmem:s3] =	stream.indirect.scatter.add.f32 [tilespmem:s23], [sflag:$0x4], $0x80, s28, s20, $0xb8;
	[tilespmem:$0x1DB00] =	vst v63  }
0x6a: {  	_ =	swait.ge [sflag:s25], $0x5000  }
0x6b: {  	[sflag:s25] =	ssyncset.done $0x0  }
0x6c: {  	[sflag:s25] =	ssyncadd.s32 $0xFFFFB000  }
0x6d: {  	_ =	swait.ge [sflag:s24], $0x5000  }
0x6e: {  	[sflag:s24] =	ssyncset.done $0x0  }
0x6f: {  	[sflag:s24] =	ssyncadd.s32 $0xFFFFB000  }
0x70: {  	[spmem:s3] =	stream.indirect.scatter.add.f32 [tilespmem:s21], [sflag:$0x3], $0x80, s20, s20, $0xb8;
	[tilespmem:$0x1DB00] =	vst v63  }
0x71: {  	_ =	swait.ge [sflag:s18], $0x5000  }
0x72: {  	[sflag:s18] =	ssyncset.done $0x0  }
0x73: {  	[sflag:s18] =	ssyncadd.s32 $0xFFFFB000  }
0x74: {  	[bflag:$0x0] =	sbarrier.arrive $0xFFFF  }
0x75: {  	[hbm:s11], [sflag:s7] =	dma.local [spmem:s17], $0x2700  }
0x76: {  	s29 =	sadd.s32 $0x1, s29;
	_ =	swait.ge [sflag:s18], $0x2700  }
0x77: {  	p1 =	sne.s32 s29, s13;
	[sflag:s18] =	ssyncset.done $0x0  }
.Ltmp1:
0x78: {  	s0 =	simm.s32 @!p0 $0x3;
	[sflag:s18] =	ssyncadd.s32 $0xFFFFD900;
	(pc) =	sbr.rel @p1 .LBB2_1-.Ltmp1, $4  }
0x79: {  	[hbm:s12], [sflag:s7] =	dma.local @!p0 [spmem:s19], $0x100  }
0x7a: {  	_ =	swait.ge @!p0 [sflag:s0], $0x100  }
0x7b: {  	[sflag:s0] =	ssyncset.done @!p0 $0x0  }
0x7c: {  	[sflag:s0] =	ssyncadd.s32 @!p0 $0xFFFFFF00  }
0x7d: {  	_ =	sfence.sel $0x180000  }
0x7e: {  	[bflag:$0x0] =	sbarrier.arrive $0xFFFF  }
0x7f: {  	_ =	strace $0x9000004D  }
0x80: {  	s0 =	stileid.u32;
	[bflag:$0x2] =	sbarrier.arrive $0xFFFF  }
0x81: {  	p0 =	sne.s32 s0, $0x0;
	s0 =	rddreg [dreg:$0x3]  }
0x82: {  	s0 =	sadd.s32 @!p0 $0x100000, s0  }
0x83: {  	[sflag:s0] =	ssyncadd.tile.s32 @!p0 $0x1;
	_ =	shalt  }
.Lfunc_end2:
_tile_overlayer_lowered:
.L_overlay_start_2:
0x84: {  	(tag) =	ssettag $0x2  }
0x85: {  	s0 =	rddreg [dreg:$0x0];
	s2 =	stileid.u32  }
0x86: {  	s1 =	rddreg [dreg:$0x1];
	p0 =	sne.s32 s2, $0x0  }
0x87: {  	s3 =	rddreg [dreg:$0x2];
	[bflag:$0x3] =	sbarrier.arrive $0xFFFF;
	s2 =	simm.s32 @!p0 $0x1C03  }
0x88: {  	[timem:s3], [sflag:s2] =	dma.local @!p0 [hbm:s0], s1  }
0x89: {  	s0 =	simm.s32 @!p0 $0x3  }
0x8a: {  	_ =	swait.ge @!p0 [sflag:s0], s1  }
0x8b: {  	s1 =	ssub.s32 @!p0 $0x0, s1;
	[sflag:s0] =	ssyncset.done @!p0 $0x0  }
0x8c: {  	[sflag:s0] =	ssyncadd.s32 @!p0 s1  }
0x8d: {  	[bflag:$0x3] =	sbarrier.arrive $0xFFFF  }
0x8e: {  	_ =	shalt  }

// kernel: kernel.8.cloned.1.call-start
scs
__scs_entry_jumppad:
0x0: {  	(pc) =	sbr.rel $0x88, $3  }
0x1: {  	(tag) =	ssettag $0x0;
	lr =	simm.s32 $0x1  }
0x2: {  	[smem:$0x3F9B] =	sst lr;
	_ =	strace $0xD0000000  }
0x3: {  	_ = 	snop  }
0x4: {  	_ = 	snop  }
0x5: {  	_ = 	snop  }
0x6: {  	_ = 	snop  }
0x7: {  	_ = 	snop  }
__scs_overlays_trampoline_lowered:
0x8: {  	[smem:$0x3FAA] =	sst s0  }
0x9: {  	[smem:$0x3FAB] =	sst s1  }
0xa: {  	[smem:$0x3FAC] =	sst s2  }
0xb: {  	[smem:$0x3FAD] =	sst s3  }
0xc: {  	[smem:$0x3FAE] =	sst s4  }
0xd: {  	[smem:$0x3FAF] =	sst s5  }
0xe: {  	[smem:$0x3FB0] =	sst s6  }
0xf: {  	[smem:$0x3FB1] =	sst s7  }
0x10: {  	[smem:$0x3FB2] =	sst s8  }
0x11: {  	[smem:$0x3FB3] =	sst s9;
	s0 =	simm.s32 @!p0 $0x0  }
0x12: {  	s1 =	sld [smem:$0x3F99];
	s0 =	simm.s32 @p0 $0x1  }
0x13: {  	[smem:$0x3FB4] =	sst s0;
	s0 =	simm.s32 @!p1 $0x0  }
0x14: {  	s2 =	sld [smem:$0x3F98];
	s0 =	simm.s32 @p1 $0x1  }
0x15: {  	[smem:$0x3FB5] =	sst s0;
	s0 =	simm.s32 @!p2 $0x0  }
0x16: {  	s3 =	sld [smem:$0x3FDB];
	s0 =	simm.s32 @p2 $0x1  }
0x17: {  	s4 =	simm.s32 $0x1BF5;
	[smem:$0x3FB7] =	sst s0  }
0x18: {  	s0 =	sld [smem:$0x3F9A];
	_ =	swait.ge [sflag:s4], $0x0  }
0x19: {  	s7 =	sld [smem:$0x3F9B]  }
0x1a: {  	s8 =	sadd.s32 $0xFFFFE003, lr  }
0x1b: {  	s9 =	sadd.s32 $0xFFFFFEF7, lr;
	s5 =	simm.s32 $0xFFFFFFFF;
	p2 =	slt.u32 s8, $0xFFFFF086  }
0x1c: {  	p1 =	slt.u32 s9, $0xF7A;
	s5 =	simm.s32 @!p2 $0x0  }
0x1d: {  	s5 =	simm.s32 @p1 $0x1;
	p0 =	seq.s32 s7, s2  }
0x1e: {  	s7 =	smul.u32 @!p0 $0xF7A, s2;
	p2 =	seq.s32 @!p0 s5, $0x0  }
0x1f: {  	s9 =	smul.u32 $0xF7A, s1;
	s8 =	simm.s32 @!p0 $0x1BF5;
	p2 =	por !p2, p0  }
0x20: {  	[sflag:s8] =	ssyncset.s32 @!p0 $0xFFFFF086;
	s6 =	sadd.s32 @!p0 s3, s7;
	s7 =	simm.s32 @!p0 $0x108  }
0x21: {  	s3 =	sadd.s32 s3, s9;
	s6 =	sadd.s32 @!p0 $0x88, s6;
	s7 =	simm.s32 @p2 $0x1082  }
0x22: {  	[simem:s7], [sflag:s8] =	dma.local @!p0 [hbm:s6], $0xF7A  }
0x23: {  	s9 =	sor.u32 $0xD0000000, s2;
	s6 =	simm.s32 $0x108;
	_ =	swait.ge @!p0 [sflag:s8], $0x0  }
0x24: {  	s3 =	sadd.s32 $0x88, s3;
	s6 =	simm.s32 @!p1 $0x1082;
	[sflag:s4] =	ssyncset.s32 $0xFFFFF086  }
0x25: {  	[simem:s6], [sflag:s4] =	dma.local [hbm:s3], $0xF7A  }
0x26: {  	[smem:$0x3F9B] =	sst s1;
	(tag) =	ssettag s2;
	_ =	strace s9  }
0x27: {  	s1 =	sld [smem:$0x3FAB]  }
0x28: {  	s2 =	sld [smem:$0x3FAC]  }
0x29: {  	s4 =	sld [smem:$0x3FAE]  }
0x2a: {  	p0 =	seq.s32 s5, $0x0;
	s5 =	sld [smem:$0x3FAF]  }
0x2b: {  	s6 =	sld [smem:$0x3FB0]  }
0x2c: {  	s7 =	sld [smem:$0x3FB1]  }
0x2d: {  	s3 =	simm.s32 $0x108;
	s8 =	sld [smem:$0x3FB2]  }
0x2e: {  	s3 =	simm.s32 @!p0 $0x1082;
	s9 =	sld [smem:$0x3FB3]  }
0x2f: {  	lr =	sadd.s32 s0, s3;
	s0 =	sld [smem:$0x3FAA]  }
0x30: {  	s3 =	sld [smem:$0x3FAD]  }
0x31: {  	[smem:$0x3FB6] =	sst s10  }
0x32: {  	s10 =	sld [smem:$0x3FB4];
	_ =	sdelay $0x3  }
0x33: {  	p0 =	seq.s32 s10, $0x1;
	s10 =	sld [smem:$0x3FB6];
	_ =	sdelay $0x3  }
0x34: {  	[smem:$0x3FB6] =	sst s10  }
0x35: {  	s10 =	sld [smem:$0x3FB5];
	_ =	sdelay $0x3  }
0x36: {  	p1 =	seq.s32 s10, $0x1;
	s10 =	sld [smem:$0x3FB6];
	_ =	sdelay $0x3  }
0x37: {  	[smem:$0x3FB6] =	sst s10  }
0x38: {  	s10 =	sld [smem:$0x3FB7]  }
0x39: {  	_ = 	snop;
	(pc) =	sbr.ind lr, $3  }
0x3a: {  	_ = 	snop  }
0x3b: {  	_ = 	snop  }
0x3c: {  	p2 =	seq.s32 s10, $0x1;
	s10 =	sld [smem:$0x3FB6]  }
0x3d: {  	_ =	shalt  }
0x3e: {  	_ =	shalt  }
0x3f: {  	_ =	shalt  }
0x40: {  	_ =	shalt  }
0x41: {  	_ =	shalt  }
0x42: {  	_ =	shalt  }
0x43: {  	_ =	shalt  }
0x44: {  	_ =	shalt  }
0x45: {  	_ =	shalt  }
0x46: {  	_ =	shalt  }
0x47: {  	_ =	shalt  }
0x48: {  	_ =	shalt  }
0x49: {  	_ =	shalt  }
0x4a: {  	_ =	shalt  }
0x4b: {  	_ =	shalt  }
0x4c: {  	_ =	shalt  }
0x4d: {  	_ =	shalt  }
0x4e: {  	_ =	shalt  }
0x4f: {  	_ =	shalt  }
0x50: {  	_ =	shalt  }
0x51: {  	_ =	shalt  }
0x52: {  	_ =	shalt  }
0x53: {  	_ =	shalt  }
0x54: {  	_ =	shalt  }
0x55: {  	_ =	shalt  }
0x56: {  	_ =	shalt  }
0x57: {  	_ =	shalt  }
0x58: {  	_ =	shalt  }
0x59: {  	_ =	shalt  }
0x5a: {  	_ =	shalt  }
0x5b: {  	_ =	shalt  }
0x5c: {  	_ =	shalt  }
0x5d: {  	_ =	shalt  }
0x5e: {  	_ =	shalt  }
0x5f: {  	_ =	shalt  }
0x60: {  	_ =	shalt  }
0x61: {  	_ =	shalt  }
0x62: {  	_ =	shalt  }
0x63: {  	_ =	shalt  }
0x64: {  	_ =	shalt  }
0x65: {  	_ =	shalt  }
0x66: {  	_ =	shalt  }
0x67: {  	_ =	shalt  }
0x68: {  	_ =	shalt  }
0x69: {  	_ =	shalt  }
0x6a: {  	_ =	shalt  }
0x6b: {  	_ =	shalt  }
0x6c: {  	_ =	shalt  }
0x6d: {  	_ =	shalt  }
0x6e: {  	_ =	shalt  }
0x6f: {  	_ =	shalt  }
0x70: {  	_ =	shalt  }
0x71: {  	_ =	shalt  }
0x72: {  	_ =	shalt  }
0x73: {  	_ =	shalt  }
0x74: {  	_ =	shalt  }
0x75: {  	_ =	shalt  }
0x76: {  	_ =	shalt  }
0x77: {  	_ =	shalt  }
0x78: {  	_ =	shalt  }
0x79: {  	_ =	shalt  }
0x7a: {  	_ =	shalt  }
0x7b: {  	_ =	shalt  }
0x7c: {  	_ =	shalt  }
0x7d: {  	_ =	shalt  }
0x7e: {  	_ =	shalt  }
0x7f: {  	_ =	shalt  }
0x80: {  	_ =	shalt  }
0x81: {  	_ =	shalt  }
0x82: {  	_ =	shalt  }
0x83: {  	_ =	shalt  }
0x84: {  	_ =	shalt  }
0x85: {  	_ =	shalt  }
0x86: {  	_ =	shalt  }
0x87: {  	_ =	shalt  }
.Lfunc_end0:
.L_simem_size_0:
called_computation_lowered:
.L_overlay_start_0:
0x88: {  	s2 =	sld [smem:$0x3FD9]  }
0x89: {  	s3 =	sld [smem:$0x3FFE];
	_ =	sdelay $0x1  }
0x8a: {  	s1 =	srdreg.scid  }
0x8b: {  	s0 =	sand.u32 $0x1, s1  }
0x8c: {  	s17 =	sshll.u32 s0, $0xA;
	s2 =	sadd.s32 s3, s2  }
0x8d: {  	s2 =	sadd.s32 s2, s17  }
0x8e: {  	[smem:$0x3FC2] =	sst s2  }
0x8f: {  	_ = 	snop  }
0x90: {  	s2 =	sld [smem:$0x3FD0];
	(tm) =	ssettm $0x1  }
0x91: {  	s18 =	sld [smem:$0x3FFB];
	_ =	sdelay $0x3  }
0x92: {  	_ =	strace s18  }
0x93: {  	s3 =	sld [smem:$0x3FFC];
	_ =	sdelay $0x3  }
0x94: {  	_ =	strace s3  }
0x95: {  	s3 =	sld [smem:$0x3FFD];
	_ =	sdelay $0x3  }
0x96: {  	_ =	strace s3  }
0x97: {  	_ =	strace $0x8FFFFFFF  }
0x98: {  	s19 =	sld [smem:$0x3FDB];
	_ =	sdelay $0x1  }
0x99: {  	s4 =	simm.s32 $_scs_section_size  }
0x9a: {  	s5 =	simm.s32 $_size__tile_overlayer_lowered;
	s6 =	simm.s32 $_tile_overlayer_lowered  }
0x9b: {  	s22 =	simm.s32 $0x1BFF;
	s21 =	sshll.u32 s6, $0x1;
	s3 =	sadd.s32 s4, s19  }
0x9c: {  	s7 =	simm.s32 $0x0;
	s20 =	sshll.u32 s5, $0x1;
	s5 =	sadd.s32 s21, s3  }
0x9d: {  	[timem:s7], [sflag:s22] =	dma.local [hbm:s5], s20  }
0x9e: {  	_ =	swait.ge [sflag:s22], s20  }
0x9f: {  	s4 =	ssub.s32 $0x0, s20;
	[sflag:s22] =	ssyncset.done $0x0  }
0xa0: {  	[sflag:s22] =	ssyncadd.s32 s4;
	_ =	sdelay $0x1  }
0xa1: {  	s23 =	simm.s32 $0x1B8B  }
0xa2: {  	_ =	swait.ge [sflag:s23], $0x1  }
0xa3: {  	[sflag:s23] =	ssyncset.done $0x0  }
0xa4: {  	s25 =	simm.s32 $0x1B8E;
	s24 =	sld [smem:$0x3FFE];
	[sflag:s23] =	ssyncadd.s32 $0xFFFFFFFF  }
0xa5: {  	s26 =	simm.s32 $execute0_lowered;
	[smem:$0x3FD2] =	sst s25  }
0xa6: {  	s5 =	sshll.u32 s26, $0x1;
	_ =	strace $0x80000046;
	[dreg:$0x1] =	wrdreg $0xFFFFFFFF  }
0xa7: {  	s28 =	simm.s32 $_size_execute0_lowered;
	s3 =	sadd.s32 s3, s5;
	[dreg:$0x0] =	wrdreg $0x0  }
0xa8: {  	s5 =	sshll.u32 s28, $0x1;
	[dreg:$0x2] =	wrdreg s3  }
0xa9: {  	[dreg:$0x3] =	wrdreg s5  }
0xaa: {  	[dreg:$0x4] =	wrdreg $0xC0  }
0xab: {  	_ =	task [dreg:s7], $0x5FFFF  }
0xac: {  	[dreg:$0x1] =	wrdreg $0xFFFFFFFF  }
0xad: {  	[dreg:$0x0] =	wrdreg $0x60  }
0xae: {  	[dreg:$0x2] =	wrdreg s2  }
0xaf: {  	[dreg:$0x3] =	wrdreg s24  }
0xb0: {  	[dreg:$0x4] =	wrdreg $0x84D00  }
0xb1: {  	[dreg:$0x5] =	wrdreg $0x9  }
0xb2: {  	_ =	task.clear_ibuf [dreg:s7], $0x6FFFF;
	_ =	strace $0x90000046  }
0xb3: {  	s29 =	simm.s32 $0x9;
	_ =	strace $0x80000048  }
0xb4: {  	_ =	swait.ge [sflag:s29], $0x1  }
0xb5: {  	[sflag:s29] =	ssyncadd.s32 $0xFFFFFFFF  }
0xb6: {  	_ =	strace $0x90000048  }
0xb7: {  	_ =	sfence  }
0xb8: {  	s30 =	sld [smem:$0x0];
	_ =	sdelay $0x2  }
0xb9: {  	s31 =	sshll.u32 s1, $0xD;
	s1 =	sshrl.u32 s1, $0x2  }
0xba: {  	s3 =	sand.u32 $0x4000, s31;
	s1 =	sadd.s32 s1, s30  }
0xbb: {  	s0 =	sor.u32 s3, s0;
	s1 =	sshll.u32 s1, $0x11  }
0xbc: {  	s0 =	sor.u32 s1, s0  }
0xbd: {  	s0 =	sadd.s32 $0x8F2B, s0  }
0xbe: {  	[sflag:s0] =	ssyncadd.remote.s32 $0x1  }
0xbf: {  	_ =	sfence.sel $0xFFFF  }
0xc0: {  	[dreg:$0x0] =	wrdreg $0xFFFFFFFF;
	(pc) =	sbr.abs _section_cstart, $3  }
0xc1: {  	[dreg:$0x1] =	wrdreg $0xFFFFFFFF  }
0xc2: {  	_ =	task.clear_ibuf [dreg:s7], $0x2FFFF;
	_ =	strace $0x9FFFFFFF  }
0xc3: {  	(tm) =	ssettm $0x7FFFFFFF  }
tec
execute0_lowered:
.L_overlay_start_1:
0x0: {  	(tag) =	ssettag $0x1  }
0x1: {  	s10 =	rddreg [dreg:$0x0]  }
0x2: {  	s8 =	rddreg [dreg:$0x1]  }
0x3: {  	s2 =	rddreg [dreg:$0x2]  }
0x4: {  	s0 =	rddreg [dreg:$0x3];
	s1 =	stileid.u32  }
0x5: {  	s3 =	simm.s32 $0x0;
	s5 =	srdreg.scid;
	s4 =	smul.u32 $0x2700, s1  }
0x6: {  	s22 =	simm.s32 $0x1;
	s23 =	simm.s32 $0x7D0;
	s9 =	smul.u32 $0x4E0, s1  }
0x7: {  	s24 =	simm.s32 $0x0;
	s7 =	sand.u32 $0x1, s5;
	s29 =	smul.u32 $0x4E20, s1  }
0x8: {  	[smem:$0x7FF] =	sst s3;
	s13 =	sadd.s32 $0x7000, s8;
	s12 =	smul.u32 $0x4E200, s7  }
0x9: {  	s30 =	sshll.u32 s1, $0x6;
	p0 =	sne.s32 s1, $0xF;
	s15 =	smul.u32 $0x4E20, s7  }
0xa: {  	_ =	strace $0x80000047;
	s6 =	ssub.s32 $0x2, s7;
	s16 =	smul.u32 $0x27100, s7  }
0xb: {  	s7 =	sadd.s32 $0x27000, s2;
	s28 =	sshrl.u32 s4, $0x3;
	s11 =	sshrl.u32 s6, $0x1  }
0xc: {  	s4 =	sadd.s32 s4, s2;
	s5 =	sadd.s32 s28, s8;
	s14 =	ssub.s32 s6, s11  }
0xd: {  	s6 =	sor.u32 $0x1C01, s30;
	s8 =	sadd.s32 $0x6E00, s8;
	s11 =	sadd.s32 s29, s12  }
0xe: {  	s9 =	sadd.s32 s9, s15;
	s31 =	sshrl.u32 s16, $0x3;
	s5 =	sadd.s32 $0x2000, s5  }
0xf: {  	s11 =	sshrl.u32 s11, $0x3;
	s9 =	sadd.s32 s13, s9;
	s12 =	sadd.s32 s13, s31  }
0x10: {  	s10 =	sadd.s32 s10, s11;
	s11 =	sadd.s32 $0x4E00, s12;
	s12 =	smax.u32 s14, $0x1  }
0x11: {  	s13 =	sadd.s32 $0xFA, s10;
	s14 =	sadd.s32 $0x1F4, s10;
	s15 =	sadd.s32 $0x2EE, s10  }
0x12: {  	s16 =	sadd.s32 $0x3E8, s10;
	s17 =	sadd.s32 $0x4E2, s10;
	s18 =	sadd.s32 $0x5DC, s10  }
0x13: {  	v0 =	vimm.f32 $1.000000000e+00;
	s19 =	sadd.s32 $0x6D6, s10;
	s20 =	sadd.s32 $0x7D0, s10;
	s21 =	sadd.s32 $0x8CA, s10  }
.LBB2_1:
0x14: {  	s25 =	simm.s32 $0x40;
	s26 =	simm.s32 $0x0  }
.LBB2_2:
0x15: {  	p1 =	sne.s32 s25, $0x1F3C0;
	[tilespmem:s26+$0x7D0] =	vst v0;
	s26 =	smov.u32 s25;
	s25 =	sadd.s32 $0x40, s25  }
.Ltmp0:
0x16: {  	(pc) =	sbr.rel @p1 .LBB2_2-.Ltmp0, $2  }
0x17: {  	_ =	sdelay $0x2  }
0x18: {  	s26 =	sshra.s32 s26, $0x2  }
0x19: {  	[tilespmem:s26+$0x7D0] =	vst v0;
	s31 =	sshrl.u32 s4, $0x3  }
0x1a: {  	[spmem:s31], [sflag:s6] =	dma.local [hbm:s5], $0x4E0  }
0x1b: {  	_ =	swait.ge [sflag:s22], $0x4E0  }
0x1c: {  	[sflag:s22] =	ssyncset.done $0x0  }
0x1d: {  	s28 =	sshrl.u32 @!p0 s7, $0x3;
	s25 =	simm.s32 @!p0 $0x1;
	[sflag:s22] =	ssyncadd.s32 $0xFFFFFB20  }
0x1e: {  	[spmem:s28], [sflag:s6] =	dma.local @!p0 [hbm:s8], $0x20  }
0x1f: {  	_ =	swait.ge @!p0 [sflag:s25], $0x20  }
0x20: {  	[sflag:s25] =	ssyncset.done @!p0 $0x0  }
0x21: {  	[sflag:s25] =	ssyncadd.s32 @!p0 $0xFFFFFFE0  }
0x22: {  	[bflag:$0x0] =	sbarrier.arrive $0xFFFF  }
0x23: {  	[tilespmem:s3], [sflag:$0x1] =	stream.linear.gather [hbm4b:s10+s3], $0x7D0, $0x38;
	[tilespmem:$0xABE0] =	vst v63  }
0x24: {  	_ =	swait.ge [sflag:s22], $0x7D0  }
0x25: {  	[sflag:s22] =	ssyncset.done $0x0  }
0x26: {  	[sflag:s22] =	ssyncadd.s32 $0xFFFFF830  }
0x27: {  	[spmem:s2] =	stream.indirect.scatter.add.f32 [tilespmem:s23], [sflag:$0x1], $0x10, s3, s23, $0xb8;
	[tilespmem:$0xABE0] =	vst v63  }
0x28: {  	_ =	swait.ge [sflag:s22], $0x7D00  }
0x29: {  	[sflag:s22] =	ssyncset.done $0x0  }
0x2a: {  	[sflag:s22] =	ssyncadd.s32 $0xFFFF8300  }
0x2b: {  	[tilespmem:s3], [sflag:$0x1] =	stream.linear.gather [hbm4b:s13+s3], $0x7D0, $0x38;
	[tilespmem:$0xABE0] =	vst v63  }
0x2c: {  	_ =	swait.ge [sflag:s22], $0x7D0  }
0x2d: {  	[sflag:s22] =	ssyncset.done $0x0  }
0x2e: {  	[sflag:s22] =	ssyncadd.s32 $0xFFFFF830  }
0x2f: {  	[spmem:s2] =	stream.indirect.scatter.add.f32 [tilespmem:s23], [sflag:$0x1], $0x10, s3, s23, $0xb8;
	[tilespmem:$0xABE0] =	vst v63  }
0x30: {  	_ =	swait.ge [sflag:s22], $0x7D00  }
0x31: {  	[sflag:s22] =	ssyncset.done $0x0  }
0x32: {  	[sflag:s22] =	ssyncadd.s32 $0xFFFF8300  }
0x33: {  	[tilespmem:s3], [sflag:$0x1] =	stream.linear.gather [hbm4b:s14+s3], $0x7D0, $0x38;
	[tilespmem:$0xABE0] =	vst v63  }
0x34: {  	_ =	swait.ge [sflag:s22], $0x7D0  }
0x35: {  	[sflag:s22] =	ssyncset.done $0x0  }
0x36: {  	[sflag:s22] =	ssyncadd.s32 $0xFFFFF830  }
0x37: {  	[spmem:s2] =	stream.indirect.scatter.add.f32 [tilespmem:s23], [sflag:$0x1], $0x10, s3, s23, $0xb8;
	[tilespmem:$0xABE0] =	vst v63  }
0x38: {  	_ =	swait.ge [sflag:s22], $0x7D00  }
0x39: {  	[sflag:s22] =	ssyncset.done $0x0  }
0x3a: {  	[sflag:s22] =	ssyncadd.s32 $0xFFFF8300  }
0x3b: {  	[tilespmem:s3], [sflag:$0x1] =	stream.linear.gather [hbm4b:s15+s3], $0x7D0, $0x38;
	[tilespmem:$0xABE0] =	vst v63  }
0x3c: {  	_ =	swait.ge [sflag:s22], $0x7D0  }
0x3d: {  	[sflag:s22] =	ssyncset.done $0x0  }
0x3e: {  	[sflag:s22] =	ssyncadd.s32 $0xFFFFF830  }
0x3f: {  	[spmem:s2] =	stream.indirect.scatter.add.f32 [tilespmem:s23], [sflag:$0x1], $0x10, s3, s23, $0xb8;
	[tilespmem:$0xABE0] =	vst v63  }
0x40: {  	_ =	swait.ge [sflag:s22], $0x7D00  }
0x41: {  	[sflag:s22] =	ssyncset.done $0x0  }
0x42: {  	[sflag:s22] =	ssyncadd.s32 $0xFFFF8300  }
0x43: {  	[tilespmem:s3], [sflag:$0x1] =	stream.linear.gather [hbm4b:s16+s3], $0x7D0, $0x38;
	[tilespmem:$0xABE0] =	vst v63  }
0x44: {  	_ =	swait.ge [sflag:s22], $0x7D0  }
0x45: {  	[sflag:s22] =	ssyncset.done $0x0  }
0x46: {  	[sflag:s22] =	ssyncadd.s32 $0xFFFFF830  }
0x47: {  	[spmem:s2] =	stream.indirect.scatter.add.f32 [tilespmem:s23], [sflag:$0x1], $0x10, s3, s23, $0xb8;
	[tilespmem:$0xABE0] =	vst v63  }
0x48: {  	_ =	swait.ge [sflag:s22], $0x7D00  }
0x49: {  	[sflag:s22] =	ssyncset.done $0x0  }
0x4a: {  	[sflag:s22] =	ssyncadd.s32 $0xFFFF8300  }
0x4b: {  	[tilespmem:s3], [sflag:$0x1] =	stream.linear.gather [hbm4b:s17+s3], $0x7D0, $0x38;
	[tilespmem:$0xABE0] =	vst v63  }
0x4c: {  	_ =	swait.ge [sflag:s22], $0x7D0  }
0x4d: {  	[sflag:s22] =	ssyncset.done $0x0  }
0x4e: {  	[sflag:s22] =	ssyncadd.s32 $0xFFFFF830  }
0x4f: {  	[spmem:s2] =	stream.indirect.scatter.add.f32 [tilespmem:s23], [sflag:$0x1], $0x10, s3, s23, $0xb8;
	[tilespmem:$0xABE0] =	vst v63  }
0x50: {  	_ =	swait.ge [sflag:s22], $0x7D00  }
0x51: {  	[sflag:s22] =	ssyncset.done $0x0  }
0x52: {  	[sflag:s22] =	ssyncadd.s32 $0xFFFF8300  }
0x53: {  	[tilespmem:s3], [sflag:$0x1] =	stream.linear.gather [hbm4b:s18+s3], $0x7D0, $0x38;
	[tilespmem:$0xABE0] =	vst v63  }
0x54: {  	_ =	swait.ge [sflag:s22], $0x7D0  }
0x55: {  	[sflag:s22] =	ssyncset.done $0x0  }
0x56: {  	[sflag:s22] =	ssyncadd.s32 $0xFFFFF830  }
0x57: {  	[spmem:s2] =	stream.indirect.scatter.add.f32 [tilespmem:s23], [sflag:$0x1], $0x10, s3, s23, $0xb8;
	[tilespmem:$0xABE0] =	vst v63  }
0x58: {  	_ =	swait.ge [sflag:s22], $0x7D00  }
0x59: {  	[sflag:s22] =	ssyncset.done $0x0  }
0x5a: {  	[sflag:s22] =	ssyncadd.s32 $0xFFFF8300  }
0x5b: {  	[tilespmem:s3], [sflag:$0x1] =	stream.linear.gather [hbm4b:s19+s3], $0x7D0, $0x38;
	[tilespmem:$0xABE0] =	vst v63  }
0x5c: {  	_ =	swait.ge [sflag:s22], $0x7D0  }
0x5d: {  	[sflag:s22] =	ssyncset.done $0x0  }
0x5e: {  	[sflag:s22] =	ssyncadd.s32 $0xFFFFF830  }
0x5f: {  	[spmem:s2] =	stream.indirect.scatter.add.f32 [tilespmem:s23], [sflag:$0x1], $0x10, s3, s23, $0xb8;
	[tilespmem:$0xABE0] =	vst v63  }
0x60: {  	_ =	swait.ge [sflag:s22], $0x7D00  }
0x61: {  	[sflag:s22] =	ssyncset.done $0x0  }
0x62: {  	[sflag:s22] =	ssyncadd.s32 $0xFFFF8300  }
0x63: {  	[tilespmem:s3], [sflag:$0x1] =	stream.linear.gather [hbm4b:s20+s3], $0x7D0, $0x38;
	[tilespmem:$0xABE0] =	vst v63  }
0x64: {  	_ =	swait.ge [sflag:s22], $0x7D0  }
0x65: {  	[sflag:s22] =	ssyncset.done $0x0  }
0x66: {  	[sflag:s22] =	ssyncadd.s32 $0xFFFFF830  }
0x67: {  	[spmem:s2] =	stream.indirect.scatter.add.f32 [tilespmem:s23], [sflag:$0x1], $0x10, s3, s23, $0xb8;
	[tilespmem:$0xABE0] =	vst v63  }
0x68: {  	_ =	swait.ge [sflag:s22], $0x7D00  }
0x69: {  	[sflag:s22] =	ssyncset.done $0x0  }
0x6a: {  	[sflag:s22] =	ssyncadd.s32 $0xFFFF8300  }
0x6b: {  	[tilespmem:s3], [sflag:$0x1] =	stream.linear.gather [hbm4b:s21+s3], $0x7D0, $0x38;
	[tilespmem:$0xABE0] =	vst v63  }
0x6c: {  	_ =	swait.ge [sflag:s22], $0x7D0  }
0x6d: {  	[sflag:s22] =	ssyncset.done $0x0  }
0x6e: {  	[sflag:s22] =	ssyncadd.s32 $0xFFFFF830  }
0x6f: {  	[spmem:s2] =	stream.indirect.scatter.add.f32 [tilespmem:s23], [sflag:$0x1], $0x10, s3, s23, $0xb8;
	[tilespmem:$0xABE0] =	vst v63  }
0x70: {  	_ =	swait.ge [sflag:s22], $0x7D00  }
0x71: {  	[sflag:s22] =	ssyncset.done $0x0  }
0x72: {  	[sflag:s22] =	ssyncadd.s32 $0xFFFF8300  }
0x73: {  	[bflag:$0x0] =	sbarrier.arrive $0xFFFF  }
0x74: {  	[hbm:s9], [sflag:s6] =	dma.local [spmem:s31], $0x4E0  }
0x75: {  	s24 =	sadd.s32 $0x1, s24;
	_ =	swait.ge [sflag:s22], $0x4E0  }
0x76: {  	p1 =	sne.s32 s24, s12;
	[sflag:s22] =	ssyncset.done $0x0  }
.Ltmp1:
0x77: {  	[sflag:s22] =	ssyncadd.s32 $0xFFFFFB20;
	(pc) =	sbr.rel @p1 .LBB2_1-.Ltmp1, $4  }
0x78: {  	[hbm:s11], [sflag:s6] =	dma.local @!p0 [spmem:s28], $0x20  }
0x79: {  	_ =	swait.ge @!p0 [sflag:s25], $0x20  }
0x7a: {  	[sflag:s25] =	ssyncset.done @!p0 $0x0  }
0x7b: {  	[sflag:s25] =	ssyncadd.s32 @!p0 $0xFFFFFFE0  }
0x7c: {  	_ =	sfence.sel $0x180000  }
0x7d: {  	[bflag:$0x0] =	sbarrier.arrive $0xFFFF  }
0x7e: {  	p0 =	sne.s32 s1, $0x0;
	_ =	strace $0x90000047  }
0x7f: {  	s0 =	sadd.s32 @!p0 $0x100000, s0;
	[bflag:$0x2] =	sbarrier.arrive $0xFFFF  }
0x80: {  	[sflag:s0] =	ssyncadd.tile.s32 @!p0 $0x1;
	_ =	shalt  }
.Lfunc_end2:
_tile_overlayer_lowered:
.L_overlay_start_2:
0x81: {  	(tag) =	ssettag $0x2  }
0x82: {  	s0 =	rddreg [dreg:$0x0];
	s2 =	stileid.u32  }
0x83: {  	s1 =	rddreg [dreg:$0x1];
	p0 =	sne.s32 s2, $0x0  }
0x84: {  	s3 =	rddreg [dreg:$0x2];
	[bflag:$0x3] =	sbarrier.arrive $0xFFFF;
	s2 =	simm.s32 @!p0 $0x1C01  }
0x85: {  	[timem:s3], [sflag:s2] =	dma.local @!p0 [hbm:s0], s1  }
0x86: {  	s0 =	simm.s32 @!p0 $0x1  }
0x87: {  	_ =	swait.ge @!p0 [sflag:s0], s1  }
0x88: {  	s1 =	ssub.s32 @!p0 $0x0, s1;
	[sflag:s0] =	ssyncset.done @!p0 $0x0  }
0x89: {  	[sflag:s0] =	ssyncadd.s32 @!p0 s1  }
0x8a: {  	[bflag:$0x3] =	sbarrier.arrive $0xFFFF  }
0x8b: {  	_ =	shalt  }

</sc_bundles>
